<compile_context>
chip_gen: v7x
topology: tpu7x:2x2x1
jax: 0.10.2.dev20260603
libtpu: 0.0.44.dev20260713+nightly
codegen_flags: <defaults>
</compile_context>

<pallas_src>
import functools

import jax
import jax.numpy as jnp
from jax import lax
from jax.experimental import pallas as pl
from jax.experimental.pallas import tpu as pltpu
from jax.experimental.pallas import tpu_sc as plsc

N_F = 26
V = 100000
E = 32
B = 16384

NC = 2
NS = 16
L = 16
HOUT = B // 4


def _body(idx_hbm, tab_hbm, out_hbm, idx_v, plane, orow, gsem, wsem):
    e = lax.axis_index("s") * NC + lax.axis_index("c")

    def p_start(f):
        pltpu.make_async_copy(tab_hbm.at[f, e, :], plane, gsem).start()

    def p_wait():
        pltpu.make_async_copy(tab_hbm.at[0, 0, :], plane, gsem).wait()

    def w_desc(f, q):
        return pltpu.make_async_copy(
            orow.at[lax.rem(q, 2)],
            out_hbm.at[f * E + e, pl.ds(q * HOUT, HOUT)],
            wsem,
        )

    p_start(0)

    def field(f, carry):
        pltpu.sync_copy(idx_hbm.at[f, :], idx_v)
        p_wait()

        def w_wait():
            pltpu.make_async_copy(
                orow.at[0], out_hbm.at[0, pl.ds(0, HOUT)], wsem
            ).wait()

        def quarter(q):
            def chunk(k, carry):
                for u in range(8):
                    o = k * 8 * L + u * L
                    iv = idx_v[pl.ds(q * HOUT + o, L)]
                    orow[q % 2, pl.ds(o, L)] = plsc.load_gather(
                        plane, [iv]
                    )
                return carry

            lax.fori_loop(0, HOUT // L // 8, chunk, 0)

            if q >= 2:
                w_wait()
            else:
                @pl.when(f > 0)
                def _():
                    w_wait()

            w_desc(f, q).start()

        for q in range(4):
            quarter(q)

        @pl.when(f + 1 < N_F)
        def _():
            p_start(f + 1)

        return carry

    lax.fori_loop(0, N_F, field, 0)
    for _ in range(2):
        pltpu.make_async_copy(
            orow.at[0], out_hbm.at[0, pl.ds(0, HOUT)], wsem
        ).wait()


@functools.partial(
    pl.kernel,
    out_type=jax.ShapeDtypeStruct((N_F * E, B), jnp.float32),
    mesh=plsc.VectorSubcoreMesh(core_axis_name="c", subcore_axis_name="s"),
    compiler_params=pltpu.CompilerParams(
        use_tc_tiling_on_sc=False, needs_layout_passes=False
    ),
    scratch_types=[
        pltpu.VMEM((B,), jnp.int32),
        pltpu.VMEM((V,), jnp.float32),
        pltpu.VMEM((2, HOUT), jnp.float32),
        pltpu.SemaphoreType.DMA,
        pltpu.SemaphoreType.DMA,
    ],
)
def _gather_kernel(idx_hbm, tab_hbm, out_hbm, idx_v, plane, orow, gsem, wsem):
    _body(idx_hbm, tab_hbm, out_hbm, idx_v, plane, orow, gsem, wsem)


def kernel(families, tables):
    fam = families.astype(jnp.int32)
    tabT = jnp.transpose(tables, (0, 2, 1))
    outT = _gather_kernel(fam, tabT)
    return outT.T

# --- scband reference (transcript-rebuilt; emitter-appended) ---
"""Pipeline reference for scband-family-encoder-2602750181934 (READ-ONLY COPY).

The authoritative reference and input builder live on the scoring server;
editing this copy changes nothing except your own understanding.
"""

import jax, jax.numpy as jnp
import numpy as np

N_FIELDS = 26
VOCAB = 100000
EMBED = 32
BATCH = 16384


def setup_inputs(seed: int = 0) -> dict:
    key = jax.random.key(seed)
    k1, k2 = jax.random.split(key)
    families = jax.random.randint(k1, (N_FIELDS, BATCH), 0, VOCAB, dtype=jnp.int64 if jax.config.jax_enable_x64 else jnp.int32)
    tables = jax.random.normal(k2, (N_FIELDS, VOCAB, EMBED), dtype=jnp.float32)
    return {"families": families, "tables": tables}


def reference(families, tables):
    # Equivalent to: parts = [emb_i(families[i]) for i in range(N_FIELDS)]; cat(parts, dim=-1)
    parts = jax.vmap(lambda tab, idx: jnp.take(tab, idx, axis=0))(tables, families)  # (F, B, E)
    out = jnp.transpose(parts, (1, 0, 2)).reshape(parts.shape[1], N_FIELDS * EMBED)  # (B, F*E)
    return out

if __name__ == "__main__":
    import jax
    _d = setup_inputs()
    print(jax.jit(kernel)(*tuple(_d.values())))

</pallas_src>

<mosaic_0001>
#map = affine_map<(d0, d1) -> (0, 0)>
#map1 = affine_map<(d0, d1) -> (0, 0, 0)>
module attributes {stable_mosaic.version = 14 : i64} {
  func.func @_gather_kernel(%arg0: i32, %arg1: i32, %arg2: memref<26x16384xi32, #tpu.memory_space<hbm>>, %arg3: memref<26x32x100000xf32, #tpu.memory_space<hbm>>, %arg4: memref<832x16384xf32, #tpu.memory_space<hbm>>, %arg5: memref<16384xi32, #tpu.memory_space<vmem>>, %arg6: memref<100000xf32, #tpu.memory_space<vmem>>, %arg7: memref<2x4096xf32, #tpu.memory_space<vmem>>, %arg8: memref<!tpu.dma_semaphore, #tpu.memory_space<semaphore_mem>>, %arg9: memref<!tpu.dma_semaphore, #tpu.memory_space<semaphore_mem>>) attributes {dimension_semantics = [#tpu.dimension_semantics<core_parallel>, #tpu.dimension_semantics<subcore_parallel>], iteration_bounds = array<i64: 2, 16>, scalar_prefetch = 0 : i64, scratch_operands = 5 : i64, tpu.core_type = #tpu.core_type<sc_vector_subcore>, window_params = [{transform_indices = #map}, {transform_indices = #map1}, {transform_indices = #map}]} {
    %mul3A = arith.constant 2 : i32
    %mul3A_0 = arith.muli %arg1, %mul3A : i32
    %add3A = arith.addi %mul3A_0, %arg0 : i32
    %dma_start3A = arith.constant 0 : i32
    %dma_start3A_1 = arith.constant 0 : i32
    %dma_start3A_2 = tpu.memref_slice %arg3[%dma_start3A, %add3A, %dma_start3A_1] : memref<26x32x100000xf32, #tpu.memory_space<hbm>> -> memref<1x1x100000xf32, #tpu.memory_space<hbm>>
    %dma_start3A_3 = tpu.memref_squeeze %dma_start3A_2 : memref<1x1x100000xf32, #tpu.memory_space<hbm>> -> memref<100000xf32, #tpu.memory_space<hbm>>
    %dma_start3A_4 = arith.constant 0 : i32
    %dma_start3A_5 = tpu.memref_slice %arg3[%dma_start3A, %add3A, %dma_start3A_4] : memref<26x32x100000xf32, #tpu.memory_space<hbm>> -> memref<1x1x100000xf32, #tpu.memory_space<hbm>>
    %dma_start3A_6 = tpu.memref_squeeze %dma_start3A_5 : memref<1x1x100000xf32, #tpu.memory_space<hbm>> -> memref<100000xf32, #tpu.memory_space<hbm>>
    tpu.enqueue_dma source(%dma_start3A_6 : memref<100000xf32, #tpu.memory_space<hbm>>) target(%arg6 : memref<100000xf32, #tpu.memory_space<vmem>>) target_semaphore(%arg8 : memref<!tpu.dma_semaphore, #tpu.memory_space<semaphore_mem>>)
    %scan3A = arith.constant 0 : i32
    %scan3A_7 = arith.constant 0 : i32
    %scan3A_8 = arith.constant 26 : i32
    %scan3A_9 = arith.addi %scan3A_7, %scan3A_8 : i32
    %scan3A_10 = arith.constant 1 : i32
    scf.for %scan3A_39 = %scan3A_7 to %scan3A_9 step %scan3A_10  : i32 {
      "tpu.region"() ({
        %run_scoped3A = tpu.sem_alloc : memref<!tpu.dma_semaphore, #tpu.memory_space<semaphore_mem>>
        %dma_start3A_184 = arith.constant 0 : i32
        %dma_start3A_185 = tpu.memref_slice %arg2[%scan3A_39, %dma_start3A_184] : memref<26x16384xi32, #tpu.memory_space<hbm>> -> memref<1x16384xi32, #tpu.memory_space<hbm>>
        %dma_start3A_186 = tpu.memref_squeeze %dma_start3A_185 : memref<1x16384xi32, #tpu.memory_space<hbm>> -> memref<16384xi32, #tpu.memory_space<hbm>>
        %dma_start3A_187 = arith.constant 0 : i32
        %dma_start3A_188 = tpu.memref_slice %arg2[%scan3A_39, %dma_start3A_187] : memref<26x16384xi32, #tpu.memory_space<hbm>> -> memref<1x16384xi32, #tpu.memory_space<hbm>>
        %dma_start3A_189 = tpu.memref_squeeze %dma_start3A_188 : memref<1x16384xi32, #tpu.memory_space<hbm>> -> memref<16384xi32, #tpu.memory_space<hbm>>
        tpu.enqueue_dma source(%dma_start3A_189 : memref<16384xi32, #tpu.memory_space<hbm>>) target(%arg5 : memref<16384xi32, #tpu.memory_space<vmem>>) target_semaphore(%run_scoped3A : memref<!tpu.dma_semaphore, #tpu.memory_space<semaphore_mem>>)
        %dma_wait3A_190 = arith.constant 0 : i32
        %dma_wait3A_191 = tpu.memref_slice %arg2[%scan3A_39, %dma_wait3A_190] : memref<26x16384xi32, #tpu.memory_space<hbm>> -> memref<1x16384xi32, #tpu.memory_space<hbm>>
        %dma_wait3A_192 = tpu.memref_squeeze %dma_wait3A_191 : memref<1x16384xi32, #tpu.memory_space<hbm>> -> memref<16384xi32, #tpu.memory_space<hbm>>
        %dma_wait3A_193 = arith.constant 0 : i32
        %dma_wait3A_194 = tpu.memref_slice %arg2[%scan3A_39, %dma_wait3A_193] : memref<26x16384xi32, #tpu.memory_space<hbm>> -> memref<1x16384xi32, #tpu.memory_space<hbm>>
        %dma_wait3A_195 = tpu.memref_squeeze %dma_wait3A_194 : memref<1x16384xi32, #tpu.memory_space<hbm>> -> memref<16384xi32, #tpu.memory_space<hbm>>
        tpu.wait_dma2 semaphore(%run_scoped3A : memref<!tpu.dma_semaphore, #tpu.memory_space<semaphore_mem>>) src(%dma_wait3A_195 : memref<16384xi32, #tpu.memory_space<hbm>>) dst(%arg5 : memref<16384xi32, #tpu.memory_space<vmem>>)
        tpu.yield
      }) : () -> ()
      %dma_wait3A_40 = arith.constant 0 : i32
      %dma_wait3A_41 = arith.constant 0 : i32
      %dma_wait3A_42 = arith.constant 0 : i32
      %dma_wait3A_43 = tpu.memref_slice %arg3[%dma_wait3A_40, %dma_wait3A_41, %dma_wait3A_42] : memref<26x32x100000xf32, #tpu.memory_space<hbm>> -> memref<1x1x100000xf32, #tpu.memory_space<hbm>>
      %dma_wait3A_44 = tpu.memref_squeeze %dma_wait3A_43 : memref<1x1x100000xf32, #tpu.memory_space<hbm>> -> memref<100000xf32, #tpu.memory_space<hbm>>
      %dma_wait3A_45 = arith.constant 0 : i32
      %dma_wait3A_46 = tpu.memref_slice %arg3[%dma_wait3A_40, %dma_wait3A_41, %dma_wait3A_45] : memref<26x32x100000xf32, #tpu.memory_space<hbm>> -> memref<1x1x100000xf32, #tpu.memory_space<hbm>>
      %dma_wait3A_47 = tpu.memref_squeeze %dma_wait3A_46 : memref<1x1x100000xf32, #tpu.memory_space<hbm>> -> memref<100000xf32, #tpu.memory_space<hbm>>
      tpu.wait_dma2 semaphore(%arg8 : memref<!tpu.dma_semaphore, #tpu.memory_space<semaphore_mem>>) src(%dma_wait3A_47 : memref<100000xf32, #tpu.memory_space<hbm>>) dst(%arg6 : memref<100000xf32, #tpu.memory_space<vmem>>)
      %scan3A_48 = arith.constant 0 : i32
      %scan3A_49 = arith.constant 0 : i32
      %scan3A_50 = arith.constant 32 : i32
      %scan3A_51 = arith.addi %scan3A_49, %scan3A_50 : i32
      %scan3A_52 = arith.constant 1 : i32
      scf.for %scan3A_184 = %scan3A_49 to %scan3A_51 step %scan3A_52  : i32 {
        %mul3A_185 = arith.constant 8 : i32
        %mul3A_186 = arith.muli %scan3A_184, %mul3A_185 : i32
        %mul3A_187 = arith.constant 16 : i32
        %mul3A_188 = arith.muli %mul3A_186, %mul3A_187 : i32
        %add3A_189 = arith.constant 0 : i32
        %add3A_190 = arith.addi %mul3A_188, %add3A_189 : i32
        %add3A_191 = arith.constant 0 : i32
        %add3A_192 = arith.addi %add3A_191, %add3A_190 : i32
        %get3A = arith.index_cast %add3A_192 : i32 to index
        %get3A_193 = tpu.vector_load %arg5[%get3A] {strides = array<i32>} : memref<16384xi32, #tpu.memory_space<vmem>>, vector<16xi32>,
        %gather3A = tpu.vector_load_idx %arg6[%get3A_193] : memref<100000xf32, #tpu.memory_space<vmem>>[vector<16xi32>], vector<16xf32>,
        %swap3A = arith.constant 0 : i32
        %swap3A_194 = arith.index_cast %swap3A : i32 to index
        %swap3A_195 = arith.index_cast %add3A_190 : i32 to index
        %swap3A_196 = tpu.vector_load %arg7[%swap3A_194, %swap3A_195] {strides = array<i32>} : memref<2x4096xf32, #tpu.memory_space<vmem>>, vector<16xf32>,
        tpu.vector_store %arg7[%swap3A_194, %swap3A_195], %gather3A {strides = array<i32>} : memref<2x4096xf32, #tpu.memory_space<vmem>>, vector<16xf32>,
        %mul3A_197 = arith.constant 8 : i32
        %mul3A_198 = arith.muli %scan3A_184, %mul3A_197 : i32
        %mul3A_199 = arith.constant 16 : i32
        %mul3A_200 = arith.muli %mul3A_198, %mul3A_199 : i32
        %add3A_201 = arith.constant 16 : i32
        %add3A_202 = arith.addi %mul3A_200, %add3A_201 : i32
        %add3A_203 = arith.constant 0 : i32
        %add3A_204 = arith.addi %add3A_203, %add3A_202 : i32
        %get3A_205 = arith.index_cast %add3A_204 : i32 to index
        %get3A_206 = tpu.vector_load %arg5[%get3A_205] {strides = array<i32>} : memref<16384xi32, #tpu.memory_space<vmem>>, vector<16xi32>,
        %gather3A_207 = tpu.vector_load_idx %arg6[%get3A_206] : memref<100000xf32, #tpu.memory_space<vmem>>[vector<16xi32>], vector<16xf32>,
        %swap3A_208 = arith.constant 0 : i32
        %swap3A_209 = arith.index_cast %swap3A_208 : i32 to index
        %swap3A_210 = arith.index_cast %add3A_202 : i32 to index
        %swap3A_211 = tpu.vector_load %arg7[%swap3A_209, %swap3A_210] {strides = array<i32>} : memref<2x4096xf32, #tpu.memory_space<vmem>>, vector<16xf32>,
        tpu.vector_store %arg7[%swap3A_209, %swap3A_210], %gather3A_207 {strides = array<i32>} : memref<2x4096xf32, #tpu.memory_space<vmem>>, vector<16xf32>,
        %mul3A_212 = arith.constant 8 : i32
        %mul3A_213 = arith.muli %scan3A_184, %mul3A_212 : i32
        %mul3A_214 = arith.constant 16 : i32
        %mul3A_215 = arith.muli %mul3A_213, %mul3A_214 : i32
        %add3A_216 = arith.constant 32 : i32
        %add3A_217 = arith.addi %mul3A_215, %add3A_216 : i32
        %add3A_218 = arith.constant 0 : i32
        %add3A_219 = arith.addi %add3A_218, %add3A_217 : i32
        %get3A_220 = arith.index_cast %add3A_219 : i32 to index
        %get3A_221 = tpu.vector_load %arg5[%get3A_220] {strides = array<i32>} : memref<16384xi32, #tpu.memory_space<vmem>>, vector<16xi32>,
        %gather3A_222 = tpu.vector_load_idx %arg6[%get3A_221] : memref<100000xf32, #tpu.memory_space<vmem>>[vector<16xi32>], vector<16xf32>,
        %swap3A_223 = arith.constant 0 : i32
        %swap3A_224 = arith.index_cast %swap3A_223 : i32 to index
        %swap3A_225 = arith.index_cast %add3A_217 : i32 to index
        %swap3A_226 = tpu.vector_load %arg7[%swap3A_224, %swap3A_225] {strides = array<i32>} : memref<2x4096xf32, #tpu.memory_space<vmem>>, vector<16xf32>,
        tpu.vector_store %arg7[%swap3A_224, %swap3A_225], %gather3A_222 {strides = array<i32>} : memref<2x4096xf32, #tpu.memory_space<vmem>>, vector<16xf32>,
        %mul3A_227 = arith.constant 8 : i32
        %mul3A_228 = arith.muli %scan3A_184, %mul3A_227 : i32
        %mul3A_229 = arith.constant 16 : i32
        %mul3A_230 = arith.muli %mul3A_228, %mul3A_229 : i32
        %add3A_231 = arith.constant 48 : i32
        %add3A_232 = arith.addi %mul3A_230, %add3A_231 : i32
        %add3A_233 = arith.constant 0 : i32
        %add3A_234 = arith.addi %add3A_233, %add3A_232 : i32
        %get3A_235 = arith.index_cast %add3A_234 : i32 to index
        %get3A_236 = tpu.vector_load %arg5[%get3A_235] {strides = array<i32>} : memref<16384xi32, #tpu.memory_space<vmem>>, vector<16xi32>,
        %gather3A_237 = tpu.vector_load_idx %arg6[%get3A_236] : memref<100000xf32, #tpu.memory_space<vmem>>[vector<16xi32>], vector<16xf32>,
        %swap3A_238 = arith.constant 0 : i32
        %swap3A_239 = arith.index_cast %swap3A_238 : i32 to index
        %swap3A_240 = arith.index_cast %add3A_232 : i32 to index
        %swap3A_241 = tpu.vector_load %arg7[%swap3A_239, %swap3A_240] {strides = array<i32>} : memref<2x4096xf32, #tpu.memory_space<vmem>>, vector<16xf32>,
        tpu.vector_store %arg7[%swap3A_239, %swap3A_240], %gather3A_237 {strides = array<i32>} : memref<2x4096xf32, #tpu.memory_space<vmem>>, vector<16xf32>,
        %mul3A_242 = arith.constant 8 : i32
        %mul3A_243 = arith.muli %scan3A_184, %mul3A_242 : i32
        %mul3A_244 = arith.constant 16 : i32
        %mul3A_245 = arith.muli %mul3A_243, %mul3A_244 : i32
        %add3A_246 = arith.constant 64 : i32
        %add3A_247 = arith.addi %mul3A_245, %add3A_246 : i32
        %add3A_248 = arith.constant 0 : i32
        %add3A_249 = arith.addi %add3A_248, %add3A_247 : i32
        %get3A_250 = arith.index_cast %add3A_249 : i32 to index
        %get3A_251 = tpu.vector_load %arg5[%get3A_250] {strides = array<i32>} : memref<16384xi32, #tpu.memory_space<vmem>>, vector<16xi32>,
        %gather3A_252 = tpu.vector_load_idx %arg6[%get3A_251] : memref<100000xf32, #tpu.memory_space<vmem>>[vector<16xi32>], vector<16xf32>,
        %swap3A_253 = arith.constant 0 : i32
        %swap3A_254 = arith.index_cast %swap3A_253 : i32 to index
        %swap3A_255 = arith.index_cast %add3A_247 : i32 to index
        %swap3A_256 = tpu.vector_load %arg7[%swap3A_254, %swap3A_255] {strides = array<i32>} : memref<2x4096xf32, #tpu.memory_space<vmem>>, vector<16xf32>,
        tpu.vector_store %arg7[%swap3A_254, %swap3A_255], %gather3A_252 {strides = array<i32>} : memref<2x4096xf32, #tpu.memory_space<vmem>>, vector<16xf32>,
        %mul3A_257 = arith.constant 8 : i32
        %mul3A_258 = arith.muli %scan3A_184, %mul3A_257 : i32
        %mul3A_259 = arith.constant 16 : i32
        %mul3A_260 = arith.muli %mul3A_258, %mul3A_259 : i32
        %add3A_261 = arith.constant 80 : i32
        %add3A_262 = arith.addi %mul3A_260, %add3A_261 : i32
        %add3A_263 = arith.constant 0 : i32
        %add3A_264 = arith.addi %add3A_263, %add3A_262 : i32
        %get3A_265 = arith.index_cast %add3A_264 : i32 to index
        %get3A_266 = tpu.vector_load %arg5[%get3A_265] {strides = array<i32>} : memref<16384xi32, #tpu.memory_space<vmem>>, vector<16xi32>,
        %gather3A_267 = tpu.vector_load_idx %arg6[%get3A_266] : memref<100000xf32, #tpu.memory_space<vmem>>[vector<16xi32>], vector<16xf32>,
        %swap3A_268 = arith.constant 0 : i32
        %swap3A_269 = arith.index_cast %swap3A_268 : i32 to index
        %swap3A_270 = arith.index_cast %add3A_262 : i32 to index
        %swap3A_271 = tpu.vector_load %arg7[%swap3A_269, %swap3A_270] {strides = array<i32>} : memref<2x4096xf32, #tpu.memory_space<vmem>>, vector<16xf32>,
        tpu.vector_store %arg7[%swap3A_269, %swap3A_270], %gather3A_267 {strides = array<i32>} : memref<2x4096xf32, #tpu.memory_space<vmem>>, vector<16xf32>,
        %mul3A_272 = arith.constant 8 : i32
        %mul3A_273 = arith.muli %scan3A_184, %mul3A_272 : i32
        %mul3A_274 = arith.constant 16 : i32
        %mul3A_275 = arith.muli %mul3A_273, %mul3A_274 : i32
        %add3A_276 = arith.constant 96 : i32
        %add3A_277 = arith.addi %mul3A_275, %add3A_276 : i32
        %add3A_278 = arith.constant 0 : i32
        %add3A_279 = arith.addi %add3A_278, %add3A_277 : i32
        %get3A_280 = arith.index_cast %add3A_279 : i32 to index
        %get3A_281 = tpu.vector_load %arg5[%get3A_280] {strides = array<i32>} : memref<16384xi32, #tpu.memory_space<vmem>>, vector<16xi32>,
        %gather3A_282 = tpu.vector_load_idx %arg6[%get3A_281] : memref<100000xf32, #tpu.memory_space<vmem>>[vector<16xi32>], vector<16xf32>,
        %swap3A_283 = arith.constant 0 : i32
        %swap3A_284 = arith.index_cast %swap3A_283 : i32 to index
        %swap3A_285 = arith.index_cast %add3A_277 : i32 to index
        %swap3A_286 = tpu.vector_load %arg7[%swap3A_284, %swap3A_285] {strides = array<i32>} : memref<2x4096xf32, #tpu.memory_space<vmem>>, vector<16xf32>,
        tpu.vector_store %arg7[%swap3A_284, %swap3A_285], %gather3A_282 {strides = array<i32>} : memref<2x4096xf32, #tpu.memory_space<vmem>>, vector<16xf32>,
        %mul3A_287 = arith.constant 8 : i32
        %mul3A_288 = arith.muli %scan3A_184, %mul3A_287 : i32
        %mul3A_289 = arith.constant 16 : i32
        %mul3A_290 = arith.muli %mul3A_288, %mul3A_289 : i32
        %add3A_291 = arith.constant 112 : i32
        %add3A_292 = arith.addi %mul3A_290, %add3A_291 : i32
        %add3A_293 = arith.constant 0 : i32
        %add3A_294 = arith.addi %add3A_293, %add3A_292 : i32
        %get3A_295 = arith.index_cast %add3A_294 : i32 to index
        %get3A_296 = tpu.vector_load %arg5[%get3A_295] {strides = array<i32>} : memref<16384xi32, #tpu.memory_space<vmem>>, vector<16xi32>,
        %gather3A_297 = tpu.vector_load_idx %arg6[%get3A_296] : memref<100000xf32, #tpu.memory_space<vmem>>[vector<16xi32>], vector<16xf32>,
        %swap3A_298 = arith.constant 0 : i32
        %swap3A_299 = arith.index_cast %swap3A_298 : i32 to index
        %swap3A_300 = arith.index_cast %add3A_292 : i32 to index
        %swap3A_301 = tpu.vector_load %arg7[%swap3A_299, %swap3A_300] {strides = array<i32>} : memref<2x4096xf32, #tpu.memory_space<vmem>>, vector<16xf32>,
        tpu.vector_store %arg7[%swap3A_299, %swap3A_300], %gather3A_297 {strides = array<i32>} : memref<2x4096xf32, #tpu.memory_space<vmem>>, vector<16xf32>,
      }
      %scan3A_53 = arith.constant 32 : i32
      %gt3A = arith.constant 0 : i32
      %gt3A_54 = arith.cmpi sgt, %scan3A_39, %gt3A : i32
      %convert_element_type3A = arith.extui %gt3A_54 : i1 to i32
      %cond3A = arith.constant 0 : i32
      %cond3A_55 = arith.cmpi ne, %convert_element_type3A, %cond3A : i32
      scf.if %cond3A_55 {
        %dma_wait3A_184 = arith.constant 0 : i32
        %dma_wait3A_185 = arith.constant 0 : i32
        %dma_wait3A_186 = arith.constant 0 : i32
        %dma_wait3A_187 = tpu.memref_slice %arg7[%dma_wait3A_184, %dma_wait3A_186] : memref<2x4096xf32, #tpu.memory_space<vmem>> -> memref<1x4096xf32, #tpu.memory_space<vmem>>
        %dma_wait3A_188 = tpu.memref_squeeze %dma_wait3A_187 : memref<1x4096xf32, #tpu.memory_space<vmem>> -> memref<4096xf32, #tpu.memory_space<vmem>>
        %dma_wait3A_189 = arith.constant 0 : i32
        %dma_wait3A_190 = tpu.memref_slice %arg4[%dma_wait3A_185, %dma_wait3A_189] : memref<832x16384xf32, #tpu.memory_space<hbm>> -> memref<1x4096xf32, #tpu.memory_space<hbm>>
        %dma_wait3A_191 = tpu.memref_squeeze %dma_wait3A_190 : memref<1x4096xf32, #tpu.memory_space<hbm>> -> memref<4096xf32, #tpu.memory_space<hbm>>
        %dma_wait3A_192 = arith.constant 0 : i32
        %dma_wait3A_193 = tpu.memref_slice %arg4[%dma_wait3A_185, %dma_wait3A_192] : memref<832x16384xf32, #tpu.memory_space<hbm>> -> memref<1x4096xf32, #tpu.memory_space<hbm>>
        %dma_wait3A_194 = tpu.memref_squeeze %dma_wait3A_193 : memref<1x4096xf32, #tpu.memory_space<hbm>> -> memref<4096xf32, #tpu.memory_space<hbm>>
        %dma_wait3A_195 = arith.constant 0 : i32
        %dma_wait3A_196 = tpu.memref_slice %arg7[%dma_wait3A_184, %dma_wait3A_195] : memref<2x4096xf32, #tpu.memory_space<vmem>> -> memref<1x4096xf32, #tpu.memory_space<vmem>>
        %dma_wait3A_197 = tpu.memref_squeeze %dma_wait3A_196 : memref<1x4096xf32, #tpu.memory_space<vmem>> -> memref<4096xf32, #tpu.memory_space<vmem>>
        tpu.wait_dma2 semaphore(%arg9 : memref<!tpu.dma_semaphore, #tpu.memory_space<semaphore_mem>>) src(%dma_wait3A_197 : memref<4096xf32, #tpu.memory_space<vmem>>) dst(%dma_wait3A_194 : memref<4096xf32, #tpu.memory_space<hbm>>)
      } else {
      }
      %rem3A = arith.constant 0 : i32
      %rem3A_56 = arith.constant 2 : i32
      %rem3A_57 = arith.remsi %rem3A, %rem3A_56 : i32
      %mul3A_58 = arith.constant 32 : i32
      %mul3A_59 = arith.muli %scan3A_39, %mul3A_58 : i32
      %add3A_60 = arith.addi %mul3A_59, %add3A : i32
      %dma_start3A_61 = arith.constant 0 : i32
      %dma_start3A_62 = tpu.memref_slice %arg7[%rem3A_57, %dma_start3A_61] : memref<2x4096xf32, #tpu.memory_space<vmem>> -> memref<1x4096xf32, #tpu.memory_space<vmem>>
      %dma_start3A_63 = tpu.memref_squeeze %dma_start3A_62 : memref<1x4096xf32, #tpu.memory_space<vmem>> -> memref<4096xf32, #tpu.memory_space<vmem>>
      %dma_start3A_64 = arith.constant 0 : i32
      %dma_start3A_65 = tpu.memref_slice %arg4[%add3A_60, %dma_start3A_64] : memref<832x16384xf32, #tpu.memory_space<hbm>> -> memref<1x4096xf32, #tpu.memory_space<hbm>>
      %dma_start3A_66 = tpu.memref_squeeze %dma_start3A_65 : memref<1x4096xf32, #tpu.memory_space<hbm>> -> memref<4096xf32, #tpu.memory_space<hbm>>
      %dma_start3A_67 = arith.constant 0 : i32
      %dma_start3A_68 = tpu.memref_slice %arg4[%add3A_60, %dma_start3A_67] : memref<832x16384xf32, #tpu.memory_space<hbm>> -> memref<1x4096xf32, #tpu.memory_space<hbm>>
      %dma_start3A_69 = tpu.memref_squeeze %dma_start3A_68 : memref<1x4096xf32, #tpu.memory_space<hbm>> -> memref<4096xf32, #tpu.memory_space<hbm>>
      %dma_start3A_70 = arith.constant 0 : i32
      %dma_start3A_71 = tpu.memref_slice %arg7[%rem3A_57, %dma_start3A_70] : memref<2x4096xf32, #tpu.memory_space<vmem>> -> memref<1x4096xf32, #tpu.memory_space<vmem>>
      %dma_start3A_72 = tpu.memref_squeeze %dma_start3A_71 : memref<1x4096xf32, #tpu.memory_space<vmem>> -> memref<4096xf32, #tpu.memory_space<vmem>>
      tpu.enqueue_dma source(%dma_start3A_72 : memref<4096xf32, #tpu.memory_space<vmem>>) target(%dma_start3A_69 : memref<4096xf32, #tpu.memory_space<hbm>>) target_semaphore(%arg9 : memref<!tpu.dma_semaphore, #tpu.memory_space<semaphore_mem>>)
      %scan3A_73 = arith.constant 0 : i32
      %scan3A_74 = arith.constant 0 : i32
      %scan3A_75 = arith.constant 32 : i32
      %scan3A_76 = arith.addi %scan3A_74, %scan3A_75 : i32
      %scan3A_77 = arith.constant 1 : i32
      scf.for %scan3A_184 = %scan3A_74 to %scan3A_76 step %scan3A_77  : i32 {
        %mul3A_185 = arith.constant 8 : i32
        %mul3A_186 = arith.muli %scan3A_184, %mul3A_185 : i32
        %mul3A_187 = arith.constant 16 : i32
        %mul3A_188 = arith.muli %mul3A_186, %mul3A_187 : i32
        %add3A_189 = arith.constant 0 : i32
        %add3A_190 = arith.addi %mul3A_188, %add3A_189 : i32
        %add3A_191 = arith.constant 4096 : i32
        %add3A_192 = arith.addi %add3A_191, %add3A_190 : i32
        %get3A = arith.index_cast %add3A_192 : i32 to index
        %get3A_193 = tpu.vector_load %arg5[%get3A] {strides = array<i32>} : memref<16384xi32, #tpu.memory_space<vmem>>, vector<16xi32>,
        %gather3A = tpu.vector_load_idx %arg6[%get3A_193] : memref<100000xf32, #tpu.memory_space<vmem>>[vector<16xi32>], vector<16xf32>,
        %swap3A = arith.constant 1 : i32
        %swap3A_194 = arith.index_cast %swap3A : i32 to index
        %swap3A_195 = arith.index_cast %add3A_190 : i32 to index
        %swap3A_196 = tpu.vector_load %arg7[%swap3A_194, %swap3A_195] {strides = array<i32>} : memref<2x4096xf32, #tpu.memory_space<vmem>>, vector<16xf32>,
        tpu.vector_store %arg7[%swap3A_194, %swap3A_195], %gather3A {strides = array<i32>} : memref<2x4096xf32, #tpu.memory_space<vmem>>, vector<16xf32>,
        %mul3A_197 = arith.constant 8 : i32
        %mul3A_198 = arith.muli %scan3A_184, %mul3A_197 : i32
        %mul3A_199 = arith.constant 16 : i32
        %mul3A_200 = arith.muli %mul3A_198, %mul3A_199 : i32
        %add3A_201 = arith.constant 16 : i32
        %add3A_202 = arith.addi %mul3A_200, %add3A_201 : i32
        %add3A_203 = arith.constant 4096 : i32
        %add3A_204 = arith.addi %add3A_203, %add3A_202 : i32
        %get3A_205 = arith.index_cast %add3A_204 : i32 to index
        %get3A_206 = tpu.vector_load %arg5[%get3A_205] {strides = array<i32>} : memref<16384xi32, #tpu.memory_space<vmem>>, vector<16xi32>,
        %gather3A_207 = tpu.vector_load_idx %arg6[%get3A_206] : memref<100000xf32, #tpu.memory_space<vmem>>[vector<16xi32>], vector<16xf32>,
        %swap3A_208 = arith.constant 1 : i32
        %swap3A_209 = arith.index_cast %swap3A_208 : i32 to index
        %swap3A_210 = arith.index_cast %add3A_202 : i32 to index
        %swap3A_211 = tpu.vector_load %arg7[%swap3A_209, %swap3A_210] {strides = array<i32>} : memref<2x4096xf32, #tpu.memory_space<vmem>>, vector<16xf32>,
        tpu.vector_store %arg7[%swap3A_209, %swap3A_210], %gather3A_207 {strides = array<i32>} : memref<2x4096xf32, #tpu.memory_space<vmem>>, vector<16xf32>,
        %mul3A_212 = arith.constant 8 : i32
        %mul3A_213 = arith.muli %scan3A_184, %mul3A_212 : i32
        %mul3A_214 = arith.constant 16 : i32
        %mul3A_215 = arith.muli %mul3A_213, %mul3A_214 : i32
        %add3A_216 = arith.constant 32 : i32
        %add3A_217 = arith.addi %mul3A_215, %add3A_216 : i32
        %add3A_218 = arith.constant 4096 : i32
        %add3A_219 = arith.addi %add3A_218, %add3A_217 : i32
        %get3A_220 = arith.index_cast %add3A_219 : i32 to index
        %get3A_221 = tpu.vector_load %arg5[%get3A_220] {strides = array<i32>} : memref<16384xi32, #tpu.memory_space<vmem>>, vector<16xi32>,
        %gather3A_222 = tpu.vector_load_idx %arg6[%get3A_221] : memref<100000xf32, #tpu.memory_space<vmem>>[vector<16xi32>], vector<16xf32>,
        %swap3A_223 = arith.constant 1 : i32
        %swap3A_224 = arith.index_cast %swap3A_223 : i32 to index
        %swap3A_225 = arith.index_cast %add3A_217 : i32 to index
        %swap3A_226 = tpu.vector_load %arg7[%swap3A_224, %swap3A_225] {strides = array<i32>} : memref<2x4096xf32, #tpu.memory_space<vmem>>, vector<16xf32>,
        tpu.vector_store %arg7[%swap3A_224, %swap3A_225], %gather3A_222 {strides = array<i32>} : memref<2x4096xf32, #tpu.memory_space<vmem>>, vector<16xf32>,
        %mul3A_227 = arith.constant 8 : i32
        %mul3A_228 = arith.muli %scan3A_184, %mul3A_227 : i32
        %mul3A_229 = arith.constant 16 : i32
        %mul3A_230 = arith.muli %mul3A_228, %mul3A_229 : i32
        %add3A_231 = arith.constant 48 : i32
        %add3A_232 = arith.addi %mul3A_230, %add3A_231 : i32
        %add3A_233 = arith.constant 4096 : i32
        %add3A_234 = arith.addi %add3A_233, %add3A_232 : i32
        %get3A_235 = arith.index_cast %add3A_234 : i32 to index
        %get3A_236 = tpu.vector_load %arg5[%get3A_235] {strides = array<i32>} : memref<16384xi32, #tpu.memory_space<vmem>>, vector<16xi32>,
        %gather3A_237 = tpu.vector_load_idx %arg6[%get3A_236] : memref<100000xf32, #tpu.memory_space<vmem>>[vector<16xi32>], vector<16xf32>,
        %swap3A_238 = arith.constant 1 : i32
        %swap3A_239 = arith.index_cast %swap3A_238 : i32 to index
        %swap3A_240 = arith.index_cast %add3A_232 : i32 to index
        %swap3A_241 = tpu.vector_load %arg7[%swap3A_239, %swap3A_240] {strides = array<i32>} : memref<2x4096xf32, #tpu.memory_space<vmem>>, vector<16xf32>,
        tpu.vector_store %arg7[%swap3A_239, %swap3A_240], %gather3A_237 {strides = array<i32>} : memref<2x4096xf32, #tpu.memory_space<vmem>>, vector<16xf32>,
        %mul3A_242 = arith.constant 8 : i32
        %mul3A_243 = arith.muli %scan3A_184, %mul3A_242 : i32
        %mul3A_244 = arith.constant 16 : i32
        %mul3A_245 = arith.muli %mul3A_243, %mul3A_244 : i32
        %add3A_246 = arith.constant 64 : i32
        %add3A_247 = arith.addi %mul3A_245, %add3A_246 : i32
        %add3A_248 = arith.constant 4096 : i32
        %add3A_249 = arith.addi %add3A_248, %add3A_247 : i32
        %get3A_250 = arith.index_cast %add3A_249 : i32 to index
        %get3A_251 = tpu.vector_load %arg5[%get3A_250] {strides = array<i32>} : memref<16384xi32, #tpu.memory_space<vmem>>, vector<16xi32>,
        %gather3A_252 = tpu.vector_load_idx %arg6[%get3A_251] : memref<100000xf32, #tpu.memory_space<vmem>>[vector<16xi32>], vector<16xf32>,
        %swap3A_253 = arith.constant 1 : i32
        %swap3A_254 = arith.index_cast %swap3A_253 : i32 to index
        %swap3A_255 = arith.index_cast %add3A_247 : i32 to index
        %swap3A_256 = tpu.vector_load %arg7[%swap3A_254, %swap3A_255] {strides = array<i32>} : memref<2x4096xf32, #tpu.memory_space<vmem>>, vector<16xf32>,
        tpu.vector_store %arg7[%swap3A_254, %swap3A_255], %gather3A_252 {strides = array<i32>} : memref<2x4096xf32, #tpu.memory_space<vmem>>, vector<16xf32>,
        %mul3A_257 = arith.constant 8 : i32
        %mul3A_258 = arith.muli %scan3A_184, %mul3A_257 : i32
        %mul3A_259 = arith.constant 16 : i32
        %mul3A_260 = arith.muli %mul3A_258, %mul3A_259 : i32
        %add3A_261 = arith.constant 80 : i32
        %add3A_262 = arith.addi %mul3A_260, %add3A_261 : i32
        %add3A_263 = arith.constant 4096 : i32
        %add3A_264 = arith.addi %add3A_263, %add3A_262 : i32
        %get3A_265 = arith.index_cast %add3A_264 : i32 to index
        %get3A_266 = tpu.vector_load %arg5[%get3A_265] {strides = array<i32>} : memref<16384xi32, #tpu.memory_space<vmem>>, vector<16xi32>,
        %gather3A_267 = tpu.vector_load_idx %arg6[%get3A_266] : memref<100000xf32, #tpu.memory_space<vmem>>[vector<16xi32>], vector<16xf32>,
        %swap3A_268 = arith.constant 1 : i32
        %swap3A_269 = arith.index_cast %swap3A_268 : i32 to index
        %swap3A_270 = arith.index_cast %add3A_262 : i32 to index
        %swap3A_271 = tpu.vector_load %arg7[%swap3A_269, %swap3A_270] {strides = array<i32>} : memref<2x4096xf32, #tpu.memory_space<vmem>>, vector<16xf32>,
        tpu.vector_store %arg7[%swap3A_269, %swap3A_270], %gather3A_267 {strides = array<i32>} : memref<2x4096xf32, #tpu.memory_space<vmem>>, vector<16xf32>,
        %mul3A_272 = arith.constant 8 : i32
        %mul3A_273 = arith.muli %scan3A_184, %mul3A_272 : i32
        %mul3A_274 = arith.constant 16 : i32
        %mul3A_275 = arith.muli %mul3A_273, %mul3A_274 : i32
        %add3A_276 = arith.constant 96 : i32
        %add3A_277 = arith.addi %mul3A_275, %add3A_276 : i32
        %add3A_278 = arith.constant 4096 : i32
        %add3A_279 = arith.addi %add3A_278, %add3A_277 : i32
        %get3A_280 = arith.index_cast %add3A_279 : i32 to index
        %get3A_281 = tpu.vector_load %arg5[%get3A_280] {strides = array<i32>} : memref<16384xi32, #tpu.memory_space<vmem>>, vector<16xi32>,
        %gather3A_282 = tpu.vector_load_idx %arg6[%get3A_281] : memref<100000xf32, #tpu.memory_space<vmem>>[vector<16xi32>], vector<16xf32>,
        %swap3A_283 = arith.constant 1 : i32
        %swap3A_284 = arith.index_cast %swap3A_283 : i32 to index
        %swap3A_285 = arith.index_cast %add3A_277 : i32 to index
        %swap3A_286 = tpu.vector_load %arg7[%swap3A_284, %swap3A_285] {strides = array<i32>} : memref<2x4096xf32, #tpu.memory_space<vmem>>, vector<16xf32>,
        tpu.vector_store %arg7[%swap3A_284, %swap3A_285], %gather3A_282 {strides = array<i32>} : memref<2x4096xf32, #tpu.memory_space<vmem>>, vector<16xf32>,
        %mul3A_287 = arith.constant 8 : i32
        %mul3A_288 = arith.muli %scan3A_184, %mul3A_287 : i32
        %mul3A_289 = arith.constant 16 : i32
        %mul3A_290 = arith.muli %mul3A_288, %mul3A_289 : i32
        %add3A_291 = arith.constant 112 : i32
        %add3A_292 = arith.addi %mul3A_290, %add3A_291 : i32
        %add3A_293 = arith.constant 4096 : i32
        %add3A_294 = arith.addi %add3A_293, %add3A_292 : i32
        %get3A_295 = arith.index_cast %add3A_294 : i32 to index
        %get3A_296 = tpu.vector_load %arg5[%get3A_295] {strides = array<i32>} : memref<16384xi32, #tpu.memory_space<vmem>>, vector<16xi32>,
        %gather3A_297 = tpu.vector_load_idx %arg6[%get3A_296] : memref<100000xf32, #tpu.memory_space<vmem>>[vector<16xi32>], vector<16xf32>,
        %swap3A_298 = arith.constant 1 : i32
        %swap3A_299 = arith.index_cast %swap3A_298 : i32 to index
        %swap3A_300 = arith.index_cast %add3A_292 : i32 to index
        %swap3A_301 = tpu.vector_load %arg7[%swap3A_299, %swap3A_300] {strides = array<i32>} : memref<2x4096xf32, #tpu.memory_space<vmem>>, vector<16xf32>,
        tpu.vector_store %arg7[%swap3A_299, %swap3A_300], %gather3A_297 {strides = array<i32>} : memref<2x4096xf32, #tpu.memory_space<vmem>>, vector<16xf32>,
      }
      %scan3A_78 = arith.constant 32 : i32
      %gt3A_79 = arith.constant 0 : i32
      %gt3A_80 = arith.cmpi sgt, %scan3A_39, %gt3A_79 : i32
      %convert_element_type3A_81 = arith.extui %gt3A_80 : i1 to i32
      %cond3A_82 = arith.constant 0 : i32
      %cond3A_83 = arith.cmpi ne, %convert_element_type3A_81, %cond3A_82 : i32
      scf.if %cond3A_83 {
        %dma_wait3A_184 = arith.constant 0 : i32
        %dma_wait3A_185 = arith.constant 0 : i32
        %dma_wait3A_186 = arith.constant 0 : i32
        %dma_wait3A_187 = tpu.memref_slice %arg7[%dma_wait3A_184, %dma_wait3A_186] : memref<2x4096xf32, #tpu.memory_space<vmem>> -> memref<1x4096xf32, #tpu.memory_space<vmem>>
        %dma_wait3A_188 = tpu.memref_squeeze %dma_wait3A_187 : memref<1x4096xf32, #tpu.memory_space<vmem>> -> memref<4096xf32, #tpu.memory_space<vmem>>
        %dma_wait3A_189 = arith.constant 0 : i32
        %dma_wait3A_190 = tpu.memref_slice %arg4[%dma_wait3A_185, %dma_wait3A_189] : memref<832x16384xf32, #tpu.memory_space<hbm>> -> memref<1x4096xf32, #tpu.memory_space<hbm>>
        %dma_wait3A_191 = tpu.memref_squeeze %dma_wait3A_190 : memref<1x4096xf32, #tpu.memory_space<hbm>> -> memref<4096xf32, #tpu.memory_space<hbm>>
        %dma_wait3A_192 = arith.constant 0 : i32
        %dma_wait3A_193 = tpu.memref_slice %arg4[%dma_wait3A_185, %dma_wait3A_192] : memref<832x16384xf32, #tpu.memory_space<hbm>> -> memref<1x4096xf32, #tpu.memory_space<hbm>>
        %dma_wait3A_194 = tpu.memref_squeeze %dma_wait3A_193 : memref<1x4096xf32, #tpu.memory_space<hbm>> -> memref<4096xf32, #tpu.memory_space<hbm>>
        %dma_wait3A_195 = arith.constant 0 : i32
        %dma_wait3A_196 = tpu.memref_slice %arg7[%dma_wait3A_184, %dma_wait3A_195] : memref<2x4096xf32, #tpu.memory_space<vmem>> -> memref<1x4096xf32, #tpu.memory_space<vmem>>
        %dma_wait3A_197 = tpu.memref_squeeze %dma_wait3A_196 : memref<1x4096xf32, #tpu.memory_space<vmem>> -> memref<4096xf32, #tpu.memory_space<vmem>>
        tpu.wait_dma2 semaphore(%arg9 : memref<!tpu.dma_semaphore, #tpu.memory_space<semaphore_mem>>) src(%dma_wait3A_197 : memref<4096xf32, #tpu.memory_space<vmem>>) dst(%dma_wait3A_194 : memref<4096xf32, #tpu.memory_space<hbm>>)
      } else {
      }
      %rem3A_84 = arith.constant 1 : i32
      %rem3A_85 = arith.constant 2 : i32
      %rem3A_86 = arith.remsi %rem3A_84, %rem3A_85 : i32
      %mul3A_87 = arith.constant 32 : i32
      %mul3A_88 = arith.muli %scan3A_39, %mul3A_87 : i32
      %add3A_89 = arith.addi %mul3A_88, %add3A : i32
      %dma_start3A_90 = arith.constant 0 : i32
      %dma_start3A_91 = tpu.memref_slice %arg7[%rem3A_86, %dma_start3A_90] : memref<2x4096xf32, #tpu.memory_space<vmem>> -> memref<1x4096xf32, #tpu.memory_space<vmem>>
      %dma_start3A_92 = tpu.memref_squeeze %dma_start3A_91 : memref<1x4096xf32, #tpu.memory_space<vmem>> -> memref<4096xf32, #tpu.memory_space<vmem>>
      %dma_start3A_93 = arith.constant 4096 : i32
      %dma_start3A_94 = tpu.memref_slice %arg4[%add3A_89, %dma_start3A_93] : memref<832x16384xf32, #tpu.memory_space<hbm>> -> memref<1x4096xf32, #tpu.memory_space<hbm>>
      %dma_start3A_95 = tpu.memref_squeeze %dma_start3A_94 : memref<1x4096xf32, #tpu.memory_space<hbm>> -> memref<4096xf32, #tpu.memory_space<hbm>>
      %dma_start3A_96 = arith.constant 4096 : i32
      %dma_start3A_97 = tpu.memref_slice %arg4[%add3A_89, %dma_start3A_96] : memref<832x16384xf32, #tpu.memory_space<hbm>> -> memref<1x4096xf32, #tpu.memory_space<hbm>>
      %dma_start3A_98 = tpu.memref_squeeze %dma_start3A_97 : memref<1x4096xf32, #tpu.memory_space<hbm>> -> memref<4096xf32, #tpu.memory_space<hbm>>
      %dma_start3A_99 = arith.constant 0 : i32
      %dma_start3A_100 = tpu.memref_slice %arg7[%rem3A_86, %dma_start3A_99] : memref<2x4096xf32, #tpu.memory_space<vmem>> -> memref<1x4096xf32, #tpu.memory_space<vmem>>
      %dma_start3A_101 = tpu.memref_squeeze %dma_start3A_100 : memref<1x4096xf32, #tpu.memory_space<vmem>> -> memref<4096xf32, #tpu.memory_space<vmem>>
      tpu.enqueue_dma source(%dma_start3A_101 : memref<4096xf32, #tpu.memory_space<vmem>>) target(%dma_start3A_98 : memref<4096xf32, #tpu.memory_space<hbm>>) target_semaphore(%arg9 : memref<!tpu.dma_semaphore, #tpu.memory_space<semaphore_mem>>)
      %scan3A_102 = arith.constant 0 : i32
      %scan3A_103 = arith.constant 0 : i32
      %scan3A_104 = arith.constant 32 : i32
      %scan3A_105 = arith.addi %scan3A_103, %scan3A_104 : i32
      %scan3A_106 = arith.constant 1 : i32
      scf.for %scan3A_184 = %scan3A_103 to %scan3A_105 step %scan3A_106  : i32 {
        %mul3A_185 = arith.constant 8 : i32
        %mul3A_186 = arith.muli %scan3A_184, %mul3A_185 : i32
        %mul3A_187 = arith.constant 16 : i32
        %mul3A_188 = arith.muli %mul3A_186, %mul3A_187 : i32
        %add3A_189 = arith.constant 0 : i32
        %add3A_190 = arith.addi %mul3A_188, %add3A_189 : i32
        %add3A_191 = arith.constant 8192 : i32
        %add3A_192 = arith.addi %add3A_191, %add3A_190 : i32
        %get3A = arith.index_cast %add3A_192 : i32 to index
        %get3A_193 = tpu.vector_load %arg5[%get3A] {strides = array<i32>} : memref<16384xi32, #tpu.memory_space<vmem>>, vector<16xi32>,
        %gather3A = tpu.vector_load_idx %arg6[%get3A_193] : memref<100000xf32, #tpu.memory_space<vmem>>[vector<16xi32>], vector<16xf32>,
        %swap3A = arith.constant 0 : i32
        %swap3A_194 = arith.index_cast %swap3A : i32 to index
        %swap3A_195 = arith.index_cast %add3A_190 : i32 to index
        %swap3A_196 = tpu.vector_load %arg7[%swap3A_194, %swap3A_195] {strides = array<i32>} : memref<2x4096xf32, #tpu.memory_space<vmem>>, vector<16xf32>,
        tpu.vector_store %arg7[%swap3A_194, %swap3A_195], %gather3A {strides = array<i32>} : memref<2x4096xf32, #tpu.memory_space<vmem>>, vector<16xf32>,
        %mul3A_197 = arith.constant 8 : i32
        %mul3A_198 = arith.muli %scan3A_184, %mul3A_197 : i32
        %mul3A_199 = arith.constant 16 : i32
        %mul3A_200 = arith.muli %mul3A_198, %mul3A_199 : i32
        %add3A_201 = arith.constant 16 : i32
        %add3A_202 = arith.addi %mul3A_200, %add3A_201 : i32
        %add3A_203 = arith.constant 8192 : i32
        %add3A_204 = arith.addi %add3A_203, %add3A_202 : i32
        %get3A_205 = arith.index_cast %add3A_204 : i32 to index
        %get3A_206 = tpu.vector_load %arg5[%get3A_205] {strides = array<i32>} : memref<16384xi32, #tpu.memory_space<vmem>>, vector<16xi32>,
        %gather3A_207 = tpu.vector_load_idx %arg6[%get3A_206] : memref<100000xf32, #tpu.memory_space<vmem>>[vector<16xi32>], vector<16xf32>,
        %swap3A_208 = arith.constant 0 : i32
        %swap3A_209 = arith.index_cast %swap3A_208 : i32 to index
        %swap3A_210 = arith.index_cast %add3A_202 : i32 to index
        %swap3A_211 = tpu.vector_load %arg7[%swap3A_209, %swap3A_210] {strides = array<i32>} : memref<2x4096xf32, #tpu.memory_space<vmem>>, vector<16xf32>,
        tpu.vector_store %arg7[%swap3A_209, %swap3A_210], %gather3A_207 {strides = array<i32>} : memref<2x4096xf32, #tpu.memory_space<vmem>>, vector<16xf32>,
        %mul3A_212 = arith.constant 8 : i32
        %mul3A_213 = arith.muli %scan3A_184, %mul3A_212 : i32
        %mul3A_214 = arith.constant 16 : i32
        %mul3A_215 = arith.muli %mul3A_213, %mul3A_214 : i32
        %add3A_216 = arith.constant 32 : i32
        %add3A_217 = arith.addi %mul3A_215, %add3A_216 : i32
        %add3A_218 = arith.constant 8192 : i32
        %add3A_219 = arith.addi %add3A_218, %add3A_217 : i32
        %get3A_220 = arith.index_cast %add3A_219 : i32 to index
        %get3A_221 = tpu.vector_load %arg5[%get3A_220] {strides = array<i32>} : memref<16384xi32, #tpu.memory_space<vmem>>, vector<16xi32>,
        %gather3A_222 = tpu.vector_load_idx %arg6[%get3A_221] : memref<100000xf32, #tpu.memory_space<vmem>>[vector<16xi32>], vector<16xf32>,
        %swap3A_223 = arith.constant 0 : i32
        %swap3A_224 = arith.index_cast %swap3A_223 : i32 to index
        %swap3A_225 = arith.index_cast %add3A_217 : i32 to index
        %swap3A_226 = tpu.vector_load %arg7[%swap3A_224, %swap3A_225] {strides = array<i32>} : memref<2x4096xf32, #tpu.memory_space<vmem>>, vector<16xf32>,
        tpu.vector_store %arg7[%swap3A_224, %swap3A_225], %gather3A_222 {strides = array<i32>} : memref<2x4096xf32, #tpu.memory_space<vmem>>, vector<16xf32>,
        %mul3A_227 = arith.constant 8 : i32
        %mul3A_228 = arith.muli %scan3A_184, %mul3A_227 : i32
        %mul3A_229 = arith.constant 16 : i32
        %mul3A_230 = arith.muli %mul3A_228, %mul3A_229 : i32
        %add3A_231 = arith.constant 48 : i32
        %add3A_232 = arith.addi %mul3A_230, %add3A_231 : i32
        %add3A_233 = arith.constant 8192 : i32
        %add3A_234 = arith.addi %add3A_233, %add3A_232 : i32
        %get3A_235 = arith.index_cast %add3A_234 : i32 to index
        %get3A_236 = tpu.vector_load %arg5[%get3A_235] {strides = array<i32>} : memref<16384xi32, #tpu.memory_space<vmem>>, vector<16xi32>,
        %gather3A_237 = tpu.vector_load_idx %arg6[%get3A_236] : memref<100000xf32, #tpu.memory_space<vmem>>[vector<16xi32>], vector<16xf32>,
        %swap3A_238 = arith.constant 0 : i32
        %swap3A_239 = arith.index_cast %swap3A_238 : i32 to index
        %swap3A_240 = arith.index_cast %add3A_232 : i32 to index
        %swap3A_241 = tpu.vector_load %arg7[%swap3A_239, %swap3A_240] {strides = array<i32>} : memref<2x4096xf32, #tpu.memory_space<vmem>>, vector<16xf32>,
        tpu.vector_store %arg7[%swap3A_239, %swap3A_240], %gather3A_237 {strides = array<i32>} : memref<2x4096xf32, #tpu.memory_space<vmem>>, vector<16xf32>,
        %mul3A_242 = arith.constant 8 : i32
        %mul3A_243 = arith.muli %scan3A_184, %mul3A_242 : i32
        %mul3A_244 = arith.constant 16 : i32
        %mul3A_245 = arith.muli %mul3A_243, %mul3A_244 : i32
        %add3A_246 = arith.constant 64 : i32
        %add3A_247 = arith.addi %mul3A_245, %add3A_246 : i32
        %add3A_248 = arith.constant 8192 : i32
        %add3A_249 = arith.addi %add3A_248, %add3A_247 : i32
        %get3A_250 = arith.index_cast %add3A_249 : i32 to index
        %get3A_251 = tpu.vector_load %arg5[%get3A_250] {strides = array<i32>} : memref<16384xi32, #tpu.memory_space<vmem>>, vector<16xi32>,
        %gather3A_252 = tpu.vector_load_idx %arg6[%get3A_251] : memref<100000xf32, #tpu.memory_space<vmem>>[vector<16xi32>], vector<16xf32>,
        %swap3A_253 = arith.constant 0 : i32
        %swap3A_254 = arith.index_cast %swap3A_253 : i32 to index
        %swap3A_255 = arith.index_cast %add3A_247 : i32 to index
        %swap3A_256 = tpu.vector_load %arg7[%swap3A_254, %swap3A_255] {strides = array<i32>} : memref<2x4096xf32, #tpu.memory_space<vmem>>, vector<16xf32>,
        tpu.vector_store %arg7[%swap3A_254, %swap3A_255], %gather3A_252 {strides = array<i32>} : memref<2x4096xf32, #tpu.memory_space<vmem>>, vector<16xf32>,
        %mul3A_257 = arith.constant 8 : i32
        %mul3A_258 = arith.muli %scan3A_184, %mul3A_257 : i32
        %mul3A_259 = arith.constant 16 : i32
        %mul3A_260 = arith.muli %mul3A_258, %mul3A_259 : i32
        %add3A_261 = arith.constant 80 : i32
        %add3A_262 = arith.addi %mul3A_260, %add3A_261 : i32
        %add3A_263 = arith.constant 8192 : i32
        %add3A_264 = arith.addi %add3A_263, %add3A_262 : i32
        %get3A_265 = arith.index_cast %add3A_264 : i32 to index
        %get3A_266 = tpu.vector_load %arg5[%get3A_265] {strides = array<i32>} : memref<16384xi32, #tpu.memory_space<vmem>>, vector<16xi32>,
        %gather3A_267 = tpu.vector_load_idx %arg6[%get3A_266] : memref<100000xf32, #tpu.memory_space<vmem>>[vector<16xi32>], vector<16xf32>,
        %swap3A_268 = arith.constant 0 : i32
        %swap3A_269 = arith.index_cast %swap3A_268 : i32 to index
        %swap3A_270 = arith.index_cast %add3A_262 : i32 to index
        %swap3A_271 = tpu.vector_load %arg7[%swap3A_269, %swap3A_270] {strides = array<i32>} : memref<2x4096xf32, #tpu.memory_space<vmem>>, vector<16xf32>,
        tpu.vector_store %arg7[%swap3A_269, %swap3A_270], %gather3A_267 {strides = array<i32>} : memref<2x4096xf32, #tpu.memory_space<vmem>>, vector<16xf32>,
        %mul3A_272 = arith.constant 8 : i32
        %mul3A_273 = arith.muli %scan3A_184, %mul3A_272 : i32
        %mul3A_274 = arith.constant 16 : i32
        %mul3A_275 = arith.muli %mul3A_273, %mul3A_274 : i32
        %add3A_276 = arith.constant 96 : i32
        %add3A_277 = arith.addi %mul3A_275, %add3A_276 : i32
        %add3A_278 = arith.constant 8192 : i32
        %add3A_279 = arith.addi %add3A_278, %add3A_277 : i32
        %get3A_280 = arith.index_cast %add3A_279 : i32 to index
        %get3A_281 = tpu.vector_load %arg5[%get3A_280] {strides = array<i32>} : memref<16384xi32, #tpu.memory_space<vmem>>, vector<16xi32>,
        %gather3A_282 = tpu.vector_load_idx %arg6[%get3A_281] : memref<100000xf32, #tpu.memory_space<vmem>>[vector<16xi32>], vector<16xf32>,
        %swap3A_283 = arith.constant 0 : i32
        %swap3A_284 = arith.index_cast %swap3A_283 : i32 to index
        %swap3A_285 = arith.index_cast %add3A_277 : i32 to index
        %swap3A_286 = tpu.vector_load %arg7[%swap3A_284, %swap3A_285] {strides = array<i32>} : memref<2x4096xf32, #tpu.memory_space<vmem>>, vector<16xf32>,
        tpu.vector_store %arg7[%swap3A_284, %swap3A_285], %gather3A_282 {strides = array<i32>} : memref<2x4096xf32, #tpu.memory_space<vmem>>, vector<16xf32>,
        %mul3A_287 = arith.constant 8 : i32
        %mul3A_288 = arith.muli %scan3A_184, %mul3A_287 : i32
        %mul3A_289 = arith.constant 16 : i32
        %mul3A_290 = arith.muli %mul3A_288, %mul3A_289 : i32
        %add3A_291 = arith.constant 112 : i32
        %add3A_292 = arith.addi %mul3A_290, %add3A_291 : i32
        %add3A_293 = arith.constant 8192 : i32
        %add3A_294 = arith.addi %add3A_293, %add3A_292 : i32
        %get3A_295 = arith.index_cast %add3A_294 : i32 to index
        %get3A_296 = tpu.vector_load %arg5[%get3A_295] {strides = array<i32>} : memref<16384xi32, #tpu.memory_space<vmem>>, vector<16xi32>,
        %gather3A_297 = tpu.vector_load_idx %arg6[%get3A_296] : memref<100000xf32, #tpu.memory_space<vmem>>[vector<16xi32>], vector<16xf32>,
        %swap3A_298 = arith.constant 0 : i32
        %swap3A_299 = arith.index_cast %swap3A_298 : i32 to index
        %swap3A_300 = arith.index_cast %add3A_292 : i32 to index
        %swap3A_301 = tpu.vector_load %arg7[%swap3A_299, %swap3A_300] {strides = array<i32>} : memref<2x4096xf32, #tpu.memory_space<vmem>>, vector<16xf32>,
        tpu.vector_store %arg7[%swap3A_299, %swap3A_300], %gather3A_297 {strides = array<i32>} : memref<2x4096xf32, #tpu.memory_space<vmem>>, vector<16xf32>,
      }
      %scan3A_107 = arith.constant 32 : i32
      %dma_wait3A_108 = arith.constant 0 : i32
      %dma_wait3A_109 = arith.constant 0 : i32
      %dma_wait3A_110 = arith.constant 0 : i32
      %dma_wait3A_111 = tpu.memref_slice %arg7[%dma_wait3A_108, %dma_wait3A_110] : memref<2x4096xf32, #tpu.memory_space<vmem>> -> memref<1x4096xf32, #tpu.memory_space<vmem>>
      %dma_wait3A_112 = tpu.memref_squeeze %dma_wait3A_111 : memref<1x4096xf32, #tpu.memory_space<vmem>> -> memref<4096xf32, #tpu.memory_space<vmem>>
      %dma_wait3A_113 = arith.constant 0 : i32
      %dma_wait3A_114 = tpu.memref_slice %arg4[%dma_wait3A_109, %dma_wait3A_113] : memref<832x16384xf32, #tpu.memory_space<hbm>> -> memref<1x4096xf32, #tpu.memory_space<hbm>>
      %dma_wait3A_115 = tpu.memref_squeeze %dma_wait3A_114 : memref<1x4096xf32, #tpu.memory_space<hbm>> -> memref<4096xf32, #tpu.memory_space<hbm>>
      %dma_wait3A_116 = arith.constant 0 : i32
      %dma_wait3A_117 = tpu.memref_slice %arg4[%dma_wait3A_109, %dma_wait3A_116] : memref<832x16384xf32, #tpu.memory_space<hbm>> -> memref<1x4096xf32, #tpu.memory_space<hbm>>
      %dma_wait3A_118 = tpu.memref_squeeze %dma_wait3A_117 : memref<1x4096xf32, #tpu.memory_space<hbm>> -> memref<4096xf32, #tpu.memory_space<hbm>>
      %dma_wait3A_119 = arith.constant 0 : i32
      %dma_wait3A_120 = tpu.memref_slice %arg7[%dma_wait3A_108, %dma_wait3A_119] : memref<2x4096xf32, #tpu.memory_space<vmem>> -> memref<1x4096xf32, #tpu.memory_space<vmem>>
      %dma_wait3A_121 = tpu.memref_squeeze %dma_wait3A_120 : memref<1x4096xf32, #tpu.memory_space<vmem>> -> memref<4096xf32, #tpu.memory_space<vmem>>
      tpu.wait_dma2 semaphore(%arg9 : memref<!tpu.dma_semaphore, #tpu.memory_space<semaphore_mem>>) src(%dma_wait3A_121 : memref<4096xf32, #tpu.memory_space<vmem>>) dst(%dma_wait3A_118 : memref<4096xf32, #tpu.memory_space<hbm>>)
      %rem3A_122 = arith.constant 2 : i32
      %rem3A_123 = arith.constant 2 : i32
      %rem3A_124 = arith.remsi %rem3A_122, %rem3A_123 : i32
      %mul3A_125 = arith.constant 32 : i32
      %mul3A_126 = arith.muli %scan3A_39, %mul3A_125 : i32
      %add3A_127 = arith.addi %mul3A_126, %add3A : i32
      %dma_start3A_128 = arith.constant 0 : i32
      %dma_start3A_129 = tpu.memref_slice %arg7[%rem3A_124, %dma_start3A_128] : memref<2x4096xf32, #tpu.memory_space<vmem>> -> memref<1x4096xf32, #tpu.memory_space<vmem>>
      %dma_start3A_130 = tpu.memref_squeeze %dma_start3A_129 : memref<1x4096xf32, #tpu.memory_space<vmem>> -> memref<4096xf32, #tpu.memory_space<vmem>>
      %dma_start3A_131 = arith.constant 8192 : i32
      %dma_start3A_132 = tpu.memref_slice %arg4[%add3A_127, %dma_start3A_131] : memref<832x16384xf32, #tpu.memory_space<hbm>> -> memref<1x4096xf32, #tpu.memory_space<hbm>>
      %dma_start3A_133 = tpu.memref_squeeze %dma_start3A_132 : memref<1x4096xf32, #tpu.memory_space<hbm>> -> memref<4096xf32, #tpu.memory_space<hbm>>
      %dma_start3A_134 = arith.constant 8192 : i32
      %dma_start3A_135 = tpu.memref_slice %arg4[%add3A_127, %dma_start3A_134] : memref<832x16384xf32, #tpu.memory_space<hbm>> -> memref<1x4096xf32, #tpu.memory_space<hbm>>
      %dma_start3A_136 = tpu.memref_squeeze %dma_start3A_135 : memref<1x4096xf32, #tpu.memory_space<hbm>> -> memref<4096xf32, #tpu.memory_space<hbm>>
      %dma_start3A_137 = arith.constant 0 : i32
      %dma_start3A_138 = tpu.memref_slice %arg7[%rem3A_124, %dma_start3A_137] : memref<2x4096xf32, #tpu.memory_space<vmem>> -> memref<1x4096xf32, #tpu.memory_space<vmem>>
      %dma_start3A_139 = tpu.memref_squeeze %dma_start3A_138 : memref<1x4096xf32, #tpu.memory_space<vmem>> -> memref<4096xf32, #tpu.memory_space<vmem>>
      tpu.enqueue_dma source(%dma_start3A_139 : memref<4096xf32, #tpu.memory_space<vmem>>) target(%dma_start3A_136 : memref<4096xf32, #tpu.memory_space<hbm>>) target_semaphore(%arg9 : memref<!tpu.dma_semaphore, #tpu.memory_space<semaphore_mem>>)
      %scan3A_140 = arith.constant 0 : i32
      %scan3A_141 = arith.constant 0 : i32
      %scan3A_142 = arith.constant 32 : i32
      %scan3A_143 = arith.addi %scan3A_141, %scan3A_142 : i32
      %scan3A_144 = arith.constant 1 : i32
      scf.for %scan3A_184 = %scan3A_141 to %scan3A_143 step %scan3A_144  : i32 {
        %mul3A_185 = arith.constant 8 : i32
        %mul3A_186 = arith.muli %scan3A_184, %mul3A_185 : i32
        %mul3A_187 = arith.constant 16 : i32
        %mul3A_188 = arith.muli %mul3A_186, %mul3A_187 : i32
        %add3A_189 = arith.constant 0 : i32
        %add3A_190 = arith.addi %mul3A_188, %add3A_189 : i32
        %add3A_191 = arith.constant 12288 : i32
        %add3A_192 = arith.addi %add3A_191, %add3A_190 : i32
        %get3A = arith.index_cast %add3A_192 : i32 to index
        %get3A_193 = tpu.vector_load %arg5[%get3A] {strides = array<i32>} : memref<16384xi32, #tpu.memory_space<vmem>>, vector<16xi32>,
        %gather3A = tpu.vector_load_idx %arg6[%get3A_193] : memref<100000xf32, #tpu.memory_space<vmem>>[vector<16xi32>], vector<16xf32>,
        %swap3A = arith.constant 1 : i32
        %swap3A_194 = arith.index_cast %swap3A : i32 to index
        %swap3A_195 = arith.index_cast %add3A_190 : i32 to index
        %swap3A_196 = tpu.vector_load %arg7[%swap3A_194, %swap3A_195] {strides = array<i32>} : memref<2x4096xf32, #tpu.memory_space<vmem>>, vector<16xf32>,
        tpu.vector_store %arg7[%swap3A_194, %swap3A_195], %gather3A {strides = array<i32>} : memref<2x4096xf32, #tpu.memory_space<vmem>>, vector<16xf32>,
        %mul3A_197 = arith.constant 8 : i32
        %mul3A_198 = arith.muli %scan3A_184, %mul3A_197 : i32
        %mul3A_199 = arith.constant 16 : i32
        %mul3A_200 = arith.muli %mul3A_198, %mul3A_199 : i32
        %add3A_201 = arith.constant 16 : i32
        %add3A_202 = arith.addi %mul3A_200, %add3A_201 : i32
        %add3A_203 = arith.constant 12288 : i32
        %add3A_204 = arith.addi %add3A_203, %add3A_202 : i32
        %get3A_205 = arith.index_cast %add3A_204 : i32 to index
        %get3A_206 = tpu.vector_load %arg5[%get3A_205] {strides = array<i32>} : memref<16384xi32, #tpu.memory_space<vmem>>, vector<16xi32>,
        %gather3A_207 = tpu.vector_load_idx %arg6[%get3A_206] : memref<100000xf32, #tpu.memory_space<vmem>>[vector<16xi32>], vector<16xf32>,
        %swap3A_208 = arith.constant 1 : i32
        %swap3A_209 = arith.index_cast %swap3A_208 : i32 to index
        %swap3A_210 = arith.index_cast %add3A_202 : i32 to index
        %swap3A_211 = tpu.vector_load %arg7[%swap3A_209, %swap3A_210] {strides = array<i32>} : memref<2x4096xf32, #tpu.memory_space<vmem>>, vector<16xf32>,
        tpu.vector_store %arg7[%swap3A_209, %swap3A_210], %gather3A_207 {strides = array<i32>} : memref<2x4096xf32, #tpu.memory_space<vmem>>, vector<16xf32>,
        %mul3A_212 = arith.constant 8 : i32
        %mul3A_213 = arith.muli %scan3A_184, %mul3A_212 : i32
        %mul3A_214 = arith.constant 16 : i32
        %mul3A_215 = arith.muli %mul3A_213, %mul3A_214 : i32
        %add3A_216 = arith.constant 32 : i32
        %add3A_217 = arith.addi %mul3A_215, %add3A_216 : i32
        %add3A_218 = arith.constant 12288 : i32
        %add3A_219 = arith.addi %add3A_218, %add3A_217 : i32
        %get3A_220 = arith.index_cast %add3A_219 : i32 to index
        %get3A_221 = tpu.vector_load %arg5[%get3A_220] {strides = array<i32>} : memref<16384xi32, #tpu.memory_space<vmem>>, vector<16xi32>,
        %gather3A_222 = tpu.vector_load_idx %arg6[%get3A_221] : memref<100000xf32, #tpu.memory_space<vmem>>[vector<16xi32>], vector<16xf32>,
        %swap3A_223 = arith.constant 1 : i32
        %swap3A_224 = arith.index_cast %swap3A_223 : i32 to index
        %swap3A_225 = arith.index_cast %add3A_217 : i32 to index
        %swap3A_226 = tpu.vector_load %arg7[%swap3A_224, %swap3A_225] {strides = array<i32>} : memref<2x4096xf32, #tpu.memory_space<vmem>>, vector<16xf32>,
        tpu.vector_store %arg7[%swap3A_224, %swap3A_225], %gather3A_222 {strides = array<i32>} : memref<2x4096xf32, #tpu.memory_space<vmem>>, vector<16xf32>,
        %mul3A_227 = arith.constant 8 : i32
        %mul3A_228 = arith.muli %scan3A_184, %mul3A_227 : i32
        %mul3A_229 = arith.constant 16 : i32
        %mul3A_230 = arith.muli %mul3A_228, %mul3A_229 : i32
        %add3A_231 = arith.constant 48 : i32
        %add3A_232 = arith.addi %mul3A_230, %add3A_231 : i32
        %add3A_233 = arith.constant 12288 : i32
        %add3A_234 = arith.addi %add3A_233, %add3A_232 : i32
        %get3A_235 = arith.index_cast %add3A_234 : i32 to index
        %get3A_236 = tpu.vector_load %arg5[%get3A_235] {strides = array<i32>} : memref<16384xi32, #tpu.memory_space<vmem>>, vector<16xi32>,
        %gather3A_237 = tpu.vector_load_idx %arg6[%get3A_236] : memref<100000xf32, #tpu.memory_space<vmem>>[vector<16xi32>], vector<16xf32>,
        %swap3A_238 = arith.constant 1 : i32
        %swap3A_239 = arith.index_cast %swap3A_238 : i32 to index
        %swap3A_240 = arith.index_cast %add3A_232 : i32 to index
        %swap3A_241 = tpu.vector_load %arg7[%swap3A_239, %swap3A_240] {strides = array<i32>} : memref<2x4096xf32, #tpu.memory_space<vmem>>, vector<16xf32>,
        tpu.vector_store %arg7[%swap3A_239, %swap3A_240], %gather3A_237 {strides = array<i32>} : memref<2x4096xf32, #tpu.memory_space<vmem>>, vector<16xf32>,
        %mul3A_242 = arith.constant 8 : i32
        %mul3A_243 = arith.muli %scan3A_184, %mul3A_242 : i32
        %mul3A_244 = arith.constant 16 : i32
        %mul3A_245 = arith.muli %mul3A_243, %mul3A_244 : i32
        %add3A_246 = arith.constant 64 : i32
        %add3A_247 = arith.addi %mul3A_245, %add3A_246 : i32
        %add3A_248 = arith.constant 12288 : i32
        %add3A_249 = arith.addi %add3A_248, %add3A_247 : i32
        %get3A_250 = arith.index_cast %add3A_249 : i32 to index
        %get3A_251 = tpu.vector_load %arg5[%get3A_250] {strides = array<i32>} : memref<16384xi32, #tpu.memory_space<vmem>>, vector<16xi32>,
        %gather3A_252 = tpu.vector_load_idx %arg6[%get3A_251] : memref<100000xf32, #tpu.memory_space<vmem>>[vector<16xi32>], vector<16xf32>,
        %swap3A_253 = arith.constant 1 : i32
        %swap3A_254 = arith.index_cast %swap3A_253 : i32 to index
        %swap3A_255 = arith.index_cast %add3A_247 : i32 to index
        %swap3A_256 = tpu.vector_load %arg7[%swap3A_254, %swap3A_255] {strides = array<i32>} : memref<2x4096xf32, #tpu.memory_space<vmem>>, vector<16xf32>,
        tpu.vector_store %arg7[%swap3A_254, %swap3A_255], %gather3A_252 {strides = array<i32>} : memref<2x4096xf32, #tpu.memory_space<vmem>>, vector<16xf32>,
        %mul3A_257 = arith.constant 8 : i32
        %mul3A_258 = arith.muli %scan3A_184, %mul3A_257 : i32
        %mul3A_259 = arith.constant 16 : i32
        %mul3A_260 = arith.muli %mul3A_258, %mul3A_259 : i32
        %add3A_261 = arith.constant 80 : i32
        %add3A_262 = arith.addi %mul3A_260, %add3A_261 : i32
        %add3A_263 = arith.constant 12288 : i32
        %add3A_264 = arith.addi %add3A_263, %add3A_262 : i32
        %get3A_265 = arith.index_cast %add3A_264 : i32 to index
        %get3A_266 = tpu.vector_load %arg5[%get3A_265] {strides = array<i32>} : memref<16384xi32, #tpu.memory_space<vmem>>, vector<16xi32>,
        %gather3A_267 = tpu.vector_load_idx %arg6[%get3A_266] : memref<100000xf32, #tpu.memory_space<vmem>>[vector<16xi32>], vector<16xf32>,
        %swap3A_268 = arith.constant 1 : i32
        %swap3A_269 = arith.index_cast %swap3A_268 : i32 to index
        %swap3A_270 = arith.index_cast %add3A_262 : i32 to index
        %swap3A_271 = tpu.vector_load %arg7[%swap3A_269, %swap3A_270] {strides = array<i32>} : memref<2x4096xf32, #tpu.memory_space<vmem>>, vector<16xf32>,
        tpu.vector_store %arg7[%swap3A_269, %swap3A_270], %gather3A_267 {strides = array<i32>} : memref<2x4096xf32, #tpu.memory_space<vmem>>, vector<16xf32>,
        %mul3A_272 = arith.constant 8 : i32
        %mul3A_273 = arith.muli %scan3A_184, %mul3A_272 : i32
        %mul3A_274 = arith.constant 16 : i32
        %mul3A_275 = arith.muli %mul3A_273, %mul3A_274 : i32
        %add3A_276 = arith.constant 96 : i32
        %add3A_277 = arith.addi %mul3A_275, %add3A_276 : i32
        %add3A_278 = arith.constant 12288 : i32
        %add3A_279 = arith.addi %add3A_278, %add3A_277 : i32
        %get3A_280 = arith.index_cast %add3A_279 : i32 to index
        %get3A_281 = tpu.vector_load %arg5[%get3A_280] {strides = array<i32>} : memref<16384xi32, #tpu.memory_space<vmem>>, vector<16xi32>,
        %gather3A_282 = tpu.vector_load_idx %arg6[%get3A_281] : memref<100000xf32, #tpu.memory_space<vmem>>[vector<16xi32>], vector<16xf32>,
        %swap3A_283 = arith.constant 1 : i32
        %swap3A_284 = arith.index_cast %swap3A_283 : i32 to index
        %swap3A_285 = arith.index_cast %add3A_277 : i32 to index
        %swap3A_286 = tpu.vector_load %arg7[%swap3A_284, %swap3A_285] {strides = array<i32>} : memref<2x4096xf32, #tpu.memory_space<vmem>>, vector<16xf32>,
        tpu.vector_store %arg7[%swap3A_284, %swap3A_285], %gather3A_282 {strides = array<i32>} : memref<2x4096xf32, #tpu.memory_space<vmem>>, vector<16xf32>,
        %mul3A_287 = arith.constant 8 : i32
        %mul3A_288 = arith.muli %scan3A_184, %mul3A_287 : i32
        %mul3A_289 = arith.constant 16 : i32
        %mul3A_290 = arith.muli %mul3A_288, %mul3A_289 : i32
        %add3A_291 = arith.constant 112 : i32
        %add3A_292 = arith.addi %mul3A_290, %add3A_291 : i32
        %add3A_293 = arith.constant 12288 : i32
        %add3A_294 = arith.addi %add3A_293, %add3A_292 : i32
        %get3A_295 = arith.index_cast %add3A_294 : i32 to index
        %get3A_296 = tpu.vector_load %arg5[%get3A_295] {strides = array<i32>} : memref<16384xi32, #tpu.memory_space<vmem>>, vector<16xi32>,
        %gather3A_297 = tpu.vector_load_idx %arg6[%get3A_296] : memref<100000xf32, #tpu.memory_space<vmem>>[vector<16xi32>], vector<16xf32>,
        %swap3A_298 = arith.constant 1 : i32
        %swap3A_299 = arith.index_cast %swap3A_298 : i32 to index
        %swap3A_300 = arith.index_cast %add3A_292 : i32 to index
        %swap3A_301 = tpu.vector_load %arg7[%swap3A_299, %swap3A_300] {strides = array<i32>} : memref<2x4096xf32, #tpu.memory_space<vmem>>, vector<16xf32>,
        tpu.vector_store %arg7[%swap3A_299, %swap3A_300], %gather3A_297 {strides = array<i32>} : memref<2x4096xf32, #tpu.memory_space<vmem>>, vector<16xf32>,
      }
      %scan3A_145 = arith.constant 32 : i32
      %dma_wait3A_146 = arith.constant 0 : i32
      %dma_wait3A_147 = arith.constant 0 : i32
      %dma_wait3A_148 = arith.constant 0 : i32
      %dma_wait3A_149 = tpu.memref_slice %arg7[%dma_wait3A_146, %dma_wait3A_148] : memref<2x4096xf32, #tpu.memory_space<vmem>> -> memref<1x4096xf32, #tpu.memory_space<vmem>>
      %dma_wait3A_150 = tpu.memref_squeeze %dma_wait3A_149 : memref<1x4096xf32, #tpu.memory_space<vmem>> -> memref<4096xf32, #tpu.memory_space<vmem>>
      %dma_wait3A_151 = arith.constant 0 : i32
      %dma_wait3A_152 = tpu.memref_slice %arg4[%dma_wait3A_147, %dma_wait3A_151] : memref<832x16384xf32, #tpu.memory_space<hbm>> -> memref<1x4096xf32, #tpu.memory_space<hbm>>
      %dma_wait3A_153 = tpu.memref_squeeze %dma_wait3A_152 : memref<1x4096xf32, #tpu.memory_space<hbm>> -> memref<4096xf32, #tpu.memory_space<hbm>>
      %dma_wait3A_154 = arith.constant 0 : i32
      %dma_wait3A_155 = tpu.memref_slice %arg4[%dma_wait3A_147, %dma_wait3A_154] : memref<832x16384xf32, #tpu.memory_space<hbm>> -> memref<1x4096xf32, #tpu.memory_space<hbm>>
      %dma_wait3A_156 = tpu.memref_squeeze %dma_wait3A_155 : memref<1x4096xf32, #tpu.memory_space<hbm>> -> memref<4096xf32, #tpu.memory_space<hbm>>
      %dma_wait3A_157 = arith.constant 0 : i32
      %dma_wait3A_158 = tpu.memref_slice %arg7[%dma_wait3A_146, %dma_wait3A_157] : memref<2x4096xf32, #tpu.memory_space<vmem>> -> memref<1x4096xf32, #tpu.memory_space<vmem>>
      %dma_wait3A_159 = tpu.memref_squeeze %dma_wait3A_158 : memref<1x4096xf32, #tpu.memory_space<vmem>> -> memref<4096xf32, #tpu.memory_space<vmem>>
      tpu.wait_dma2 semaphore(%arg9 : memref<!tpu.dma_semaphore, #tpu.memory_space<semaphore_mem>>) src(%dma_wait3A_159 : memref<4096xf32, #tpu.memory_space<vmem>>) dst(%dma_wait3A_156 : memref<4096xf32, #tpu.memory_space<hbm>>)
      %rem3A_160 = arith.constant 3 : i32
      %rem3A_161 = arith.constant 2 : i32
      %rem3A_162 = arith.remsi %rem3A_160, %rem3A_161 : i32
      %mul3A_163 = arith.constant 32 : i32
      %mul3A_164 = arith.muli %scan3A_39, %mul3A_163 : i32
      %add3A_165 = arith.addi %mul3A_164, %add3A : i32
      %dma_start3A_166 = arith.constant 0 : i32
      %dma_start3A_167 = tpu.memref_slice %arg7[%rem3A_162, %dma_start3A_166] : memref<2x4096xf32, #tpu.memory_space<vmem>> -> memref<1x4096xf32, #tpu.memory_space<vmem>>
      %dma_start3A_168 = tpu.memref_squeeze %dma_start3A_167 : memref<1x4096xf32, #tpu.memory_space<vmem>> -> memref<4096xf32, #tpu.memory_space<vmem>>
      %dma_start3A_169 = arith.constant 12288 : i32
      %dma_start3A_170 = tpu.memref_slice %arg4[%add3A_165, %dma_start3A_169] : memref<832x16384xf32, #tpu.memory_space<hbm>> -> memref<1x4096xf32, #tpu.memory_space<hbm>>
      %dma_start3A_171 = tpu.memref_squeeze %dma_start3A_170 : memref<1x4096xf32, #tpu.memory_space<hbm>> -> memref<4096xf32, #tpu.memory_space<hbm>>
      %dma_start3A_172 = arith.constant 12288 : i32
      %dma_start3A_173 = tpu.memref_slice %arg4[%add3A_165, %dma_start3A_172] : memref<832x16384xf32, #tpu.memory_space<hbm>> -> memref<1x4096xf32, #tpu.memory_space<hbm>>
      %dma_start3A_174 = tpu.memref_squeeze %dma_start3A_173 : memref<1x4096xf32, #tpu.memory_space<hbm>> -> memref<4096xf32, #tpu.memory_space<hbm>>
      %dma_start3A_175 = arith.constant 0 : i32
      %dma_start3A_176 = tpu.memref_slice %arg7[%rem3A_162, %dma_start3A_175] : memref<2x4096xf32, #tpu.memory_space<vmem>> -> memref<1x4096xf32, #tpu.memory_space<vmem>>
      %dma_start3A_177 = tpu.memref_squeeze %dma_start3A_176 : memref<1x4096xf32, #tpu.memory_space<vmem>> -> memref<4096xf32, #tpu.memory_space<vmem>>
      tpu.enqueue_dma source(%dma_start3A_177 : memref<4096xf32, #tpu.memory_space<vmem>>) target(%dma_start3A_174 : memref<4096xf32, #tpu.memory_space<hbm>>) target_semaphore(%arg9 : memref<!tpu.dma_semaphore, #tpu.memory_space<semaphore_mem>>)
      %add3A_178 = arith.constant 1 : i32
      %add3A_179 = arith.addi %scan3A_39, %add3A_178 : i32
      %lt3A = arith.constant 26 : i32
      %lt3A_180 = arith.cmpi slt, %add3A_179, %lt3A : i32
      %convert_element_type3A_181 = arith.extui %lt3A_180 : i1 to i32
      %cond3A_182 = arith.constant 0 : i32
      %cond3A_183 = arith.cmpi ne, %convert_element_type3A_181, %cond3A_182 : i32
      scf.if %cond3A_183 {
        %add3A_184 = arith.constant 1 : i32
        %add3A_185 = arith.addi %scan3A_39, %add3A_184 : i32
        %dma_start3A_186 = arith.constant 0 : i32
        %dma_start3A_187 = tpu.memref_slice %arg3[%add3A_185, %add3A, %dma_start3A_186] : memref<26x32x100000xf32, #tpu.memory_space<hbm>> -> memref<1x1x100000xf32, #tpu.memory_space<hbm>>
        %dma_start3A_188 = tpu.memref_squeeze %dma_start3A_187 : memref<1x1x100000xf32, #tpu.memory_space<hbm>> -> memref<100000xf32, #tpu.memory_space<hbm>>
        %dma_start3A_189 = arith.constant 0 : i32
        %dma_start3A_190 = tpu.memref_slice %arg3[%add3A_185, %add3A, %dma_start3A_189] : memref<26x32x100000xf32, #tpu.memory_space<hbm>> -> memref<1x1x100000xf32, #tpu.memory_space<hbm>>
        %dma_start3A_191 = tpu.memref_squeeze %dma_start3A_190 : memref<1x1x100000xf32, #tpu.memory_space<hbm>> -> memref<100000xf32, #tpu.memory_space<hbm>>
        tpu.enqueue_dma source(%dma_start3A_191 : memref<100000xf32, #tpu.memory_space<hbm>>) target(%arg6 : memref<100000xf32, #tpu.memory_space<vmem>>) target_semaphore(%arg8 : memref<!tpu.dma_semaphore, #tpu.memory_space<semaphore_mem>>)
      } else {
      }
    }
    %scan3A_11 = arith.constant 26 : i32
    %dma_wait3A = arith.constant 0 : i32
    %dma_wait3A_12 = arith.constant 0 : i32
    %dma_wait3A_13 = arith.constant 0 : i32
    %dma_wait3A_14 = tpu.memref_slice %arg7[%dma_wait3A, %dma_wait3A_13] : memref<2x4096xf32, #tpu.memory_space<vmem>> -> memref<1x4096xf32, #tpu.memory_space<vmem>>
    %dma_wait3A_15 = tpu.memref_squeeze %dma_wait3A_14 : memref<1x4096xf32, #tpu.memory_space<vmem>> -> memref<4096xf32, #tpu.memory_space<vmem>>
    %dma_wait3A_16 = arith.constant 0 : i32
    %dma_wait3A_17 = tpu.memref_slice %arg4[%dma_wait3A_12, %dma_wait3A_16] : memref<832x16384xf32, #tpu.memory_space<hbm>> -> memref<1x4096xf32, #tpu.memory_space<hbm>>
    %dma_wait3A_18 = tpu.memref_squeeze %dma_wait3A_17 : memref<1x4096xf32, #tpu.memory_space<hbm>> -> memref<4096xf32, #tpu.memory_space<hbm>>
    %dma_wait3A_19 = arith.constant 0 : i32
    %dma_wait3A_20 = tpu.memref_slice %arg4[%dma_wait3A_12, %dma_wait3A_19] : memref<832x16384xf32, #tpu.memory_space<hbm>> -> memref<1x4096xf32, #tpu.memory_space<hbm>>
    %dma_wait3A_21 = tpu.memref_squeeze %dma_wait3A_20 : memref<1x4096xf32, #tpu.memory_space<hbm>> -> memref<4096xf32, #tpu.memory_space<hbm>>
    %dma_wait3A_22 = arith.constant 0 : i32
    %dma_wait3A_23 = tpu.memref_slice %arg7[%dma_wait3A, %dma_wait3A_22] : memref<2x4096xf32, #tpu.memory_space<vmem>> -> memref<1x4096xf32, #tpu.memory_space<vmem>>
    %dma_wait3A_24 = tpu.memref_squeeze %dma_wait3A_23 : memref<1x4096xf32, #tpu.memory_space<vmem>> -> memref<4096xf32, #tpu.memory_space<vmem>>
    tpu.wait_dma2 semaphore(%arg9 : memref<!tpu.dma_semaphore, #tpu.memory_space<semaphore_mem>>) src(%dma_wait3A_24 : memref<4096xf32, #tpu.memory_space<vmem>>) dst(%dma_wait3A_21 : memref<4096xf32, #tpu.memory_space<hbm>>)
    %dma_wait3A_25 = arith.constant 0 : i32
    %dma_wait3A_26 = arith.constant 0 : i32
    %dma_wait3A_27 = arith.constant 0 : i32
    %dma_wait3A_28 = tpu.memref_slice %arg7[%dma_wait3A_25, %dma_wait3A_27] : memref<2x4096xf32, #tpu.memory_space<vmem>> -> memref<1x4096xf32, #tpu.memory_space<vmem>>
    %dma_wait3A_29 = tpu.memref_squeeze %dma_wait3A_28 : memref<1x4096xf32, #tpu.memory_space<vmem>> -> memref<4096xf32, #tpu.memory_space<vmem>>
    %dma_wait3A_30 = arith.constant 0 : i32
    %dma_wait3A_31 = tpu.memref_slice %arg4[%dma_wait3A_26, %dma_wait3A_30] : memref<832x16384xf32, #tpu.memory_space<hbm>> -> memref<1x4096xf32, #tpu.memory_space<hbm>>
    %dma_wait3A_32 = tpu.memref_squeeze %dma_wait3A_31 : memref<1x4096xf32, #tpu.memory_space<hbm>> -> memref<4096xf32, #tpu.memory_space<hbm>>
    %dma_wait3A_33 = arith.constant 0 : i32
    %dma_wait3A_34 = tpu.memref_slice %arg4[%dma_wait3A_26, %dma_wait3A_33] : memref<832x16384xf32, #tpu.memory_space<hbm>> -> memref<1x4096xf32, #tpu.memory_space<hbm>>
    %dma_wait3A_35 = tpu.memref_squeeze %dma_wait3A_34 : memref<1x4096xf32, #tpu.memory_space<hbm>> -> memref<4096xf32, #tpu.memory_space<hbm>>
    %dma_wait3A_36 = arith.constant 0 : i32
    %dma_wait3A_37 = tpu.memref_slice %arg7[%dma_wait3A_25, %dma_wait3A_36] : memref<2x4096xf32, #tpu.memory_space<vmem>> -> memref<1x4096xf32, #tpu.memory_space<vmem>>
    %dma_wait3A_38 = tpu.memref_squeeze %dma_wait3A_37 : memref<1x4096xf32, #tpu.memory_space<vmem>> -> memref<4096xf32, #tpu.memory_space<vmem>>
    tpu.wait_dma2 semaphore(%arg9 : memref<!tpu.dma_semaphore, #tpu.memory_space<semaphore_mem>>) src(%dma_wait3A_38 : memref<4096xf32, #tpu.memory_space<vmem>>) dst(%dma_wait3A_35 : memref<4096xf32, #tpu.memory_space<hbm>>)
    return
  }
}

</mosaic_0001>

<sc_bundles>
// kernel: kernel.3.cloned.1.call-start
scs
__scs_entry_jumppad:
0x0: {  	(pc) =	sbr.rel $0x88, $3  }
0x1: {  	(tag) =	ssettag $0x0;
	lr =	simm.s32 $0x1  }
0x2: {  	[smem:$0x3F9F] =	sst lr;
	_ =	strace $0xD0000000  }
0x3: {  	_ = 	snop  }
0x4: {  	_ = 	snop  }
0x5: {  	_ = 	snop  }
0x6: {  	_ = 	snop  }
0x7: {  	_ = 	snop  }
__scs_overlays_trampoline_lowered:
0x8: {  	[smem:$0x3FAE] =	sst s0  }
0x9: {  	[smem:$0x3FAF] =	sst s1  }
0xa: {  	[smem:$0x3FB0] =	sst s2  }
0xb: {  	[smem:$0x3FB1] =	sst s3  }
0xc: {  	[smem:$0x3FB2] =	sst s4  }
0xd: {  	[smem:$0x3FB3] =	sst s5  }
0xe: {  	[smem:$0x3FB4] =	sst s6  }
0xf: {  	[smem:$0x3FB5] =	sst s7  }
0x10: {  	[smem:$0x3FB6] =	sst s8  }
0x11: {  	[smem:$0x3FB7] =	sst s9;
	s0 =	simm.s32 @!p0 $0x0  }
0x12: {  	s1 =	sld [smem:$0x3F9D];
	s0 =	simm.s32 @p0 $0x1  }
0x13: {  	[smem:$0x3FB8] =	sst s0;
	s0 =	simm.s32 @!p1 $0x0  }
0x14: {  	s2 =	sld [smem:$0x3F9C];
	s0 =	simm.s32 @p1 $0x1  }
0x15: {  	[smem:$0x3FB9] =	sst s0;
	s0 =	simm.s32 @!p2 $0x0  }
0x16: {  	s3 =	sld [smem:$0x3FDB];
	s0 =	simm.s32 @p2 $0x1  }
0x17: {  	s4 =	simm.s32 $0x1BF5;
	[smem:$0x3FBB] =	sst s0  }
0x18: {  	s0 =	sld [smem:$0x3F9E];
	_ =	swait.ge [sflag:s4], $0x0  }
0x19: {  	s7 =	sld [smem:$0x3F9F]  }
0x1a: {  	s8 =	sadd.s32 $0xFFFFE003, lr  }
0x1b: {  	s9 =	sadd.s32 $0xFFFFFEF7, lr;
	s5 =	simm.s32 $0xFFFFFFFF;
	p2 =	slt.u32 s8, $0xFFFFF086  }
0x1c: {  	p1 =	slt.u32 s9, $0xF7A;
	s5 =	simm.s32 @!p2 $0x0  }
0x1d: {  	s5 =	simm.s32 @p1 $0x1;
	p0 =	seq.s32 s7, s2  }
0x1e: {  	s7 =	smul.u32 @!p0 $0xF7A, s2;
	p2 =	seq.s32 @!p0 s5, $0x0  }
0x1f: {  	s9 =	smul.u32 $0xF7A, s1;
	s8 =	simm.s32 @!p0 $0x1BF5;
	p2 =	por !p2, p0  }
0x20: {  	[sflag:s8] =	ssyncset.s32 @!p0 $0xFFFFF086;
	s6 =	sadd.s32 @!p0 s3, s7;
	s7 =	simm.s32 @!p0 $0x108  }
0x21: {  	s3 =	sadd.s32 s3, s9;
	s6 =	sadd.s32 @!p0 $0x88, s6;
	s7 =	simm.s32 @p2 $0x1082  }
0x22: {  	[simem:s7], [sflag:s8] =	dma.local @!p0 [hbm:s6], $0xF7A  }
0x23: {  	s9 =	sor.u32 $0xD0000000, s2;
	s6 =	simm.s32 $0x108;
	_ =	swait.ge @!p0 [sflag:s8], $0x0  }
0x24: {  	s3 =	sadd.s32 $0x88, s3;
	s6 =	simm.s32 @!p1 $0x1082;
	[sflag:s4] =	ssyncset.s32 $0xFFFFF086  }
0x25: {  	[simem:s6], [sflag:s4] =	dma.local [hbm:s3], $0xF7A  }
0x26: {  	[smem:$0x3F9F] =	sst s1;
	(tag) =	ssettag s2;
	_ =	strace s9  }
0x27: {  	s1 =	sld [smem:$0x3FAF]  }
0x28: {  	s2 =	sld [smem:$0x3FB0]  }
0x29: {  	s4 =	sld [smem:$0x3FB2]  }
0x2a: {  	p0 =	seq.s32 s5, $0x0;
	s5 =	sld [smem:$0x3FB3]  }
0x2b: {  	s6 =	sld [smem:$0x3FB4]  }
0x2c: {  	s7 =	sld [smem:$0x3FB5]  }
0x2d: {  	s3 =	simm.s32 $0x108;
	s8 =	sld [smem:$0x3FB6]  }
0x2e: {  	s3 =	simm.s32 @!p0 $0x1082;
	s9 =	sld [smem:$0x3FB7]  }
0x2f: {  	lr =	sadd.s32 s0, s3;
	s0 =	sld [smem:$0x3FAE]  }
0x30: {  	s3 =	sld [smem:$0x3FB1]  }
0x31: {  	[smem:$0x3FBA] =	sst s10  }
0x32: {  	s10 =	sld [smem:$0x3FB8];
	_ =	sdelay $0x3  }
0x33: {  	p0 =	seq.s32 s10, $0x1;
	s10 =	sld [smem:$0x3FBA];
	_ =	sdelay $0x3  }
0x34: {  	[smem:$0x3FBA] =	sst s10  }
0x35: {  	s10 =	sld [smem:$0x3FB9];
	_ =	sdelay $0x3  }
0x36: {  	p1 =	seq.s32 s10, $0x1;
	s10 =	sld [smem:$0x3FBA];
	_ =	sdelay $0x3  }
0x37: {  	[smem:$0x3FBA] =	sst s10  }
0x38: {  	s10 =	sld [smem:$0x3FBB]  }
0x39: {  	_ = 	snop;
	(pc) =	sbr.ind lr, $3  }
0x3a: {  	_ = 	snop  }
0x3b: {  	_ = 	snop  }
0x3c: {  	p2 =	seq.s32 s10, $0x1;
	s10 =	sld [smem:$0x3FBA]  }
0x3d: {  	_ =	shalt  }
0x3e: {  	_ =	shalt  }
0x3f: {  	_ =	shalt  }
0x40: {  	_ =	shalt  }
0x41: {  	_ =	shalt  }
0x42: {  	_ =	shalt  }
0x43: {  	_ =	shalt  }
0x44: {  	_ =	shalt  }
0x45: {  	_ =	shalt  }
0x46: {  	_ =	shalt  }
0x47: {  	_ =	shalt  }
0x48: {  	_ =	shalt  }
0x49: {  	_ =	shalt  }
0x4a: {  	_ =	shalt  }
0x4b: {  	_ =	shalt  }
0x4c: {  	_ =	shalt  }
0x4d: {  	_ =	shalt  }
0x4e: {  	_ =	shalt  }
0x4f: {  	_ =	shalt  }
0x50: {  	_ =	shalt  }
0x51: {  	_ =	shalt  }
0x52: {  	_ =	shalt  }
0x53: {  	_ =	shalt  }
0x54: {  	_ =	shalt  }
0x55: {  	_ =	shalt  }
0x56: {  	_ =	shalt  }
0x57: {  	_ =	shalt  }
0x58: {  	_ =	shalt  }
0x59: {  	_ =	shalt  }
0x5a: {  	_ =	shalt  }
0x5b: {  	_ =	shalt  }
0x5c: {  	_ =	shalt  }
0x5d: {  	_ =	shalt  }
0x5e: {  	_ =	shalt  }
0x5f: {  	_ =	shalt  }
0x60: {  	_ =	shalt  }
0x61: {  	_ =	shalt  }
0x62: {  	_ =	shalt  }
0x63: {  	_ =	shalt  }
0x64: {  	_ =	shalt  }
0x65: {  	_ =	shalt  }
0x66: {  	_ =	shalt  }
0x67: {  	_ =	shalt  }
0x68: {  	_ =	shalt  }
0x69: {  	_ =	shalt  }
0x6a: {  	_ =	shalt  }
0x6b: {  	_ =	shalt  }
0x6c: {  	_ =	shalt  }
0x6d: {  	_ =	shalt  }
0x6e: {  	_ =	shalt  }
0x6f: {  	_ =	shalt  }
0x70: {  	_ =	shalt  }
0x71: {  	_ =	shalt  }
0x72: {  	_ =	shalt  }
0x73: {  	_ =	shalt  }
0x74: {  	_ =	shalt  }
0x75: {  	_ =	shalt  }
0x76: {  	_ =	shalt  }
0x77: {  	_ =	shalt  }
0x78: {  	_ =	shalt  }
0x79: {  	_ =	shalt  }
0x7a: {  	_ =	shalt  }
0x7b: {  	_ =	shalt  }
0x7c: {  	_ =	shalt  }
0x7d: {  	_ =	shalt  }
0x7e: {  	_ =	shalt  }
0x7f: {  	_ =	shalt  }
0x80: {  	_ =	shalt  }
0x81: {  	_ =	shalt  }
0x82: {  	_ =	shalt  }
0x83: {  	_ =	shalt  }
0x84: {  	_ =	shalt  }
0x85: {  	_ =	shalt  }
0x86: {  	_ =	shalt  }
0x87: {  	_ =	shalt  }
.Lfunc_end0:
.L_simem_size_0:
called_computation_lowered:
.L_overlay_start_0:
0x88: {  	s2 =	sld [smem:$0x3FD9]  }
0x89: {  	s3 =	sld [smem:$0x3FFE];
	_ =	sdelay $0x1  }
0x8a: {  	s1 =	srdreg.scid  }
0x8b: {  	s0 =	sand.u32 $0x1, s1  }
0x8c: {  	s17 =	sshll.u32 s0, $0xA;
	s2 =	sadd.s32 s3, s2  }
0x8d: {  	s2 =	sadd.s32 s2, s17  }
0x8e: {  	[smem:$0x3FC6] =	sst s2  }
0x8f: {  	_ = 	snop  }
0x90: {  	s2 =	sld [smem:$0x3FD0];
	(tm) =	ssettm $0x1  }
0x91: {  	s18 =	sld [smem:$0x3FFB];
	_ =	sdelay $0x3  }
0x92: {  	_ =	strace s18  }
0x93: {  	s3 =	sld [smem:$0x3FFC];
	_ =	sdelay $0x3  }
0x94: {  	_ =	strace s3  }
0x95: {  	s3 =	sld [smem:$0x3FFD];
	_ =	sdelay $0x3  }
0x96: {  	_ =	strace s3  }
0x97: {  	_ =	strace $0x8FFFFFFF  }
0x98: {  	s19 =	sld [smem:$0x3FDB];
	_ =	sdelay $0x1  }
0x99: {  	s4 =	simm.s32 $_scs_section_size  }
0x9a: {  	s5 =	simm.s32 $_size__tile_overlayer_lowered;
	s6 =	simm.s32 $_tile_overlayer_lowered  }
0x9b: {  	s22 =	simm.s32 $0x1BFF;
	s21 =	sshll.u32 s6, $0x1;
	s3 =	sadd.s32 s4, s19  }
0x9c: {  	s7 =	simm.s32 $0x0;
	s20 =	sshll.u32 s5, $0x1;
	s5 =	sadd.s32 s21, s3  }
0x9d: {  	[timem:s7], [sflag:s22] =	dma.local [hbm:s5], s20  }
0x9e: {  	_ =	swait.ge [sflag:s22], s20  }
0x9f: {  	s4 =	ssub.s32 $0x0, s20;
	[sflag:s22] =	ssyncset.done $0x0  }
0xa0: {  	[sflag:s22] =	ssyncadd.s32 s4;
	_ =	sdelay $0x1  }
0xa1: {  	s23 =	simm.s32 $0x1B8B  }
0xa2: {  	_ =	swait.ge [sflag:s23], $0x1  }
0xa3: {  	[sflag:s23] =	ssyncset.done $0x0  }
0xa4: {  	s25 =	simm.s32 $0x1B8E;
	s24 =	sld [smem:$0x3FFE];
	[sflag:s23] =	ssyncadd.s32 $0xFFFFFFFF  }
0xa5: {  	s26 =	simm.s32 $execute0_lowered;
	[smem:$0x3FD2] =	sst s25  }
0xa6: {  	s5 =	sshll.u32 s26, $0x1;
	_ =	strace $0x80000046;
	[dreg:$0x1] =	wrdreg $0xFFFFFFFF  }
0xa7: {  	s28 =	simm.s32 $_size_execute0_lowered;
	s3 =	sadd.s32 s3, s5;
	[dreg:$0x0] =	wrdreg $0x0  }
0xa8: {  	s5 =	sshll.u32 s28, $0x1;
	[dreg:$0x2] =	wrdreg s3  }
0xa9: {  	[dreg:$0x3] =	wrdreg s5  }
0xaa: {  	[dreg:$0x4] =	wrdreg $0xC0  }
0xab: {  	_ =	task [dreg:s7], $0x5FFFF  }
0xac: {  	[dreg:$0x1] =	wrdreg $0xFFFFFFFF  }
0xad: {  	[dreg:$0x0] =	wrdreg $0x60  }
0xae: {  	[dreg:$0x2] =	wrdreg s2  }
0xaf: {  	[dreg:$0x3] =	wrdreg s24  }
0xb0: {  	[dreg:$0x4] =	wrdreg $0x9  }
0xb1: {  	_ =	task.clear_ibuf [dreg:s7], $0x5FFFF;
	_ =	strace $0x90000046  }
0xb2: {  	s29 =	simm.s32 $0x9;
	_ =	strace $0x80000048  }
0xb3: {  	_ =	swait.ge [sflag:s29], $0x1  }
0xb4: {  	[sflag:s29] =	ssyncadd.s32 $0xFFFFFFFF  }
0xb5: {  	_ =	strace $0x90000048  }
0xb6: {  	_ =	sfence  }
0xb7: {  	s30 =	sld [smem:$0x0];
	_ =	sdelay $0x2  }
0xb8: {  	s31 =	sshll.u32 s1, $0xD;
	s1 =	sshrl.u32 s1, $0x2  }
0xb9: {  	s3 =	sand.u32 $0x4000, s31;
	s1 =	sadd.s32 s1, s30  }
0xba: {  	s0 =	sor.u32 s3, s0;
	s1 =	sshll.u32 s1, $0x11  }
0xbb: {  	s0 =	sor.u32 s1, s0  }
0xbc: {  	s0 =	sadd.s32 $0x8F2B, s0  }
0xbd: {  	[sflag:s0] =	ssyncadd.remote.s32 $0x1  }
0xbe: {  	_ =	sfence.sel $0xFFFF  }
0xbf: {  	[dreg:$0x0] =	wrdreg $0xFFFFFFFF;
	(pc) =	sbr.abs _section_cstart, $3  }
0xc0: {  	[dreg:$0x1] =	wrdreg $0xFFFFFFFF  }
0xc1: {  	_ =	task.clear_ibuf [dreg:s7], $0x2FFFF;
	_ =	strace $0x9FFFFFFF  }
0xc2: {  	(tm) =	ssettm $0x7FFFFFFF  }
0xc3: {  	_ =	shalt  }
tec
execute0_lowered:
.L_overlay_start_1:
0x0: {  	(tag) =	ssettag $0x1  }
0x1: {  	s2 =	rddreg [dreg:$0x0]  }
0x2: {  	s11 =	rddreg [dreg:$0x1]  }
0x3: {  	s0 =	rddreg [dreg:$0x2];
	s4 =	srdreg.scid  }
0x4: {  	s1 =	stileid.u32;
	s3 =	simm.s32 $0x0;
	s13 =	simm.s32 $0x4000  }
0x5: {  	s14 =	simm.s32 $0x3;
	s15 =	simm.s32 $0x1;
	s16 =	simm.s32 $0x1C6A0  }
0x6: {  	s17 =	simm.s32 $0x1D6A0;
	s18 =	simm.s32 $0x2;
	s19 =	simm.s32 $0x0  }
0x7: {  	s4 =	sand.u32 $0x1, s4;
	s5 =	sshll.u32 s1, $0x1;
	[smem:$0x7FF] =	sst s3  }
0x8: {  	s6 =	sadd.s32 $0x9EB600, s11;
	s10 =	sadd.s32 $0x9EBA00, s11;
	s7 =	sor.u32 s4, s5  }
0x9: {  	_ =	strace $0x80000047;
	s8 =	ssub.s32 $0x2, s4;
	s4 =	smul.u32 $0x186A0, s7  }
0xa: {  	s5 =	sadd.s32 $0x400, s11;
	s9 =	sshrl.u32 s8, $0x1;
	s7 =	sshll.u32 s7, $0xB  }
0xb: {  	s12 =	ssub.s32 s8, s9;
	s9 =	sadd.s32 $0x9EB800, s11;
	s31 =	sshrl.u32 s4, $0x3  }
0xc: {  	s11 =	sadd.s32 $0x9EBC00, s11;
	s12 =	smax.u32 s12, $0x1;
	s8 =	sadd.s32 s5, s31  }
.LBB2_1:
0xd: {  	[tilespmem:s13], [sflag:$0x1] =	stream.linear.gather [hbm4b:s8+s3], $0x186A0, $0x38;
	[tilespmem:$0x1E6A0] =	vst v63  }
0xe: {  	s20 =	simm.s32 $0x0  }
.LBB2_2:
0xf: {  	s21 =	sshll.u32 s20, $0xB  }
0x10: {  	s22 =	simm.s32 $0x0;
	s21 =	sadd.s32 s2, s21  }
0x11: {  	[tilespmem:s22], [sflag:$0x3] =	stream.linear.gather [hbm4b:s21+s22], $0x4000, $0x38;
	[tilespmem:$0x1E6A0] =	vst v63  }
0x12: {  	_ =	swait.ge [sflag:s14], $0x4000  }
0x13: {  	[sflag:s14] =	ssyncset.done $0x0  }
0x14: {  	[sflag:s14] =	ssyncadd.s32 $0xFFFFC000  }
0x15: {  	_ =	swait.ge [sflag:s15], $0x186A0  }
0x16: {  	[sflag:s15] =	ssyncset.done $0x0  }
0x17: {  	s21 =	simm.s32 $0x0;
	[sflag:s15] =	ssyncadd.s32 $0xFFFE7960  }
0x18: {  	v0 =	vld [tilespmem:s21+$0x0];
	_ =	sdelay $0x5  }
0x19: {  	v1 =	vld [tilespmem:s21+$0x10];
	_ =	sdelay $0x1  }
0x1a: {  	v0 =	vld.idx.msk [tilespmem:v0+s13+$0x0], $0xffff;
	_ =	sdelay $0x4  }
0x1b: {  	[tilespmem:s21+$0x1C6A0] =	vst v0;
	v0 =	vld [tilespmem:s21+$0x20]  }
0x1c: {  	v1 =	vld.idx.msk [tilespmem:v1+s13+$0x0], $0xffff;
	_ =	sdelay $0x4  }
0x1d: {  	[tilespmem:s21+$0x1C6B0] =	vst v1;
	v1 =	vld [tilespmem:s21+$0x30];
	_ =	sdelay $0x1  }
0x1e: {  	v0 =	vld.idx.msk [tilespmem:v0+s13+$0x0], $0xffff;
	_ =	sdelay $0x4  }
0x1f: {  	[tilespmem:s21+$0x1C6C0] =	vst v0;
	v0 =	vld [tilespmem:s21+$0x40]  }
0x20: {  	v1 =	vld.idx.msk [tilespmem:v1+s13+$0x0], $0xffff;
	_ =	sdelay $0x4  }
0x21: {  	[tilespmem:s21+$0x1C6D0] =	vst v1;
	v1 =	vld [tilespmem:s21+$0x50];
	_ =	sdelay $0x1  }
0x22: {  	v0 =	vld.idx.msk [tilespmem:v0+s13+$0x0], $0xffff;
	_ =	sdelay $0x4  }
0x23: {  	v2 =	vld [tilespmem:s21+$0x60];
	[tilespmem:s21+$0x1C6E0] =	vst v0  }
0x24: {  	v0 =	vld.idx.msk [tilespmem:v1+s13+$0x0], $0xffff;
	_ =	sdelay $0x4  }
0x25: {  	[tilespmem:s21+$0x1C6F0] =	vst v0;
	v0 =	vld [tilespmem:s21+$0x70];
	_ =	sdelay $0x1  }
0x26: {  	v1 =	vld.idx.msk [tilespmem:v2+s13+$0x0], $0xffff;
	_ =	sdelay $0x3  }
0x27: {  	s23 =	simm.s32 $0x80;
	s22 =	simm.s32 $0x400  }
.LBB2_3:
0x28: {  	p0 =	sne.s32 s22, $0x3E00;
	v2 =	vld [tilespmem:s23+$0x0];
	[tilespmem:s21+$0x1C700] =	vst v1  }
0x29: {  	v0 =	vld.idx.msk [tilespmem:v0+s13+$0x0], $0xffff;
	_ =	sdelay $0x5  }
0x2a: {  	v1 =	vld [tilespmem:s23+$0x10];
	[tilespmem:s21+$0x1C710] =	vst v0;
	s21 =	smov.u32 s23  }
0x2b: {  	v0 =	vld.idx.msk [tilespmem:v2+s13+$0x0], $0xffff;
	_ =	sdelay $0x5  }
0x2c: {  	[tilespmem:s21+$0x1C6A0] =	vst v0;
	v0 =	vld [tilespmem:s21+$0x20]  }
0x2d: {  	v1 =	vld.idx.msk [tilespmem:v1+s13+$0x0], $0xffff;
	_ =	sdelay $0x5  }
0x2e: {  	[tilespmem:s21+$0x1C6B0] =	vst v1;
	v1 =	vld [tilespmem:s21+$0x30]  }
0x2f: {  	v0 =	vld.idx.msk [tilespmem:v0+s13+$0x0], $0xffff;
	_ =	sdelay $0x5  }
0x30: {  	[tilespmem:s21+$0x1C6C0] =	vst v0;
	v0 =	vld [tilespmem:s21+$0x40]  }
0x31: {  	v1 =	vld.idx.msk [tilespmem:v1+s13+$0x0], $0xffff;
	_ =	sdelay $0x5  }
0x32: {  	[tilespmem:s21+$0x1C6D0] =	vst v1;
	v1 =	vld [tilespmem:s21+$0x50]  }
0x33: {  	v0 =	vld.idx.msk [tilespmem:v0+s13+$0x0], $0xffff;
	_ =	sdelay $0x5  }
0x34: {  	[tilespmem:s21+$0x1C6E0] =	vst v0;
	v2 =	vld [tilespmem:s21+$0x60]  }
0x35: {  	v0 =	vld.idx.msk [tilespmem:v1+s13+$0x0], $0xffff;
	_ =	sdelay $0x5  }
0x36: {  	[tilespmem:s21+$0x1C6F0] =	vst v0;
	v0 =	vld [tilespmem:s21+$0x70]  }
0x37: {  	v1 =	vld.idx.msk [tilespmem:v2+s13+$0x0], $0xffff  }
.Ltmp0:
0x38: {  	(pc) =	sbr.rel @p0 .LBB2_3-.Ltmp0, $2  }
0x39: {  	_ =	sdelay $0x2  }
0x3a: {  	s23 =	sshra.s32 s22, $0x2;
	s22 =	sadd.s32 $0x200, s22  }
0x3b: {  	_ =	sdelay $0x1  }
0x3c: {  	v2 =	vld [tilespmem:s23+$0x0]  }
0x3d: {  	[tilespmem:s21+$0x1C700] =	vst v1  }
0x3e: {  	v0 =	vld.idx.msk [tilespmem:v0+s13+$0x0], $0xffff;
	_ =	sdelay $0x3  }
0x3f: {  	v1 =	vld [tilespmem:s23+$0x10]  }
0x40: {  	[tilespmem:s21+$0x1C710] =	vst v0  }
0x41: {  	v0 =	vld.idx.msk [tilespmem:v2+s13+$0x0], $0xffff;
	_ =	sdelay $0x4  }
0x42: {  	[tilespmem:s23+$0x1C6A0] =	vst v0;
	v0 =	vld [tilespmem:s23+$0x20]  }
0x43: {  	v1 =	vld.idx.msk [tilespmem:v1+s13+$0x0], $0xffff;
	_ =	sdelay $0x4  }
0x44: {  	[tilespmem:s23+$0x1C6B0] =	vst v1;
	v1 =	vld [tilespmem:s23+$0x30];
	_ =	sdelay $0x1  }
0x45: {  	v0 =	vld.idx.msk [tilespmem:v0+s13+$0x0], $0xffff;
	_ =	sdelay $0x4  }
0x46: {  	[tilespmem:s23+$0x1C6C0] =	vst v0;
	v0 =	vld [tilespmem:s23+$0x40]  }
0x47: {  	v1 =	vld.idx.msk [tilespmem:v1+s13+$0x0], $0xffff;
	_ =	sdelay $0x4  }
0x48: {  	[tilespmem:s23+$0x1C6D0] =	vst v1;
	v1 =	vld [tilespmem:s23+$0x50];
	_ =	sdelay $0x1  }
0x49: {  	v0 =	vld.idx.msk [tilespmem:v0+s13+$0x0], $0xffff;
	_ =	sdelay $0x4  }
0x4a: {  	[tilespmem:s23+$0x1C6E0] =	vst v0;
	v0 =	vld [tilespmem:s23+$0x60]  }
0x4b: {  	v1 =	vld.idx.msk [tilespmem:v1+s13+$0x0], $0xffff;
	_ =	sdelay $0x4  }
0x4c: {  	[tilespmem:s23+$0x1C6F0] =	vst v1;
	v1 =	vld [tilespmem:s23+$0x70];
	_ =	sdelay $0x1  }
0x4d: {  	v0 =	vld.idx.msk [tilespmem:v0+s13+$0x0], $0xffff;
	_ =	sdelay $0x4  }
0x4e: {  	[tilespmem:s23+$0x1C700] =	vst v0  }
0x4f: {  	v0 =	vld.idx.msk [tilespmem:v1+s13+$0x0], $0xffff;
	_ =	sdelay $0x3  }
0x50: {  	p0 =	seq.s32 s20, $0x0  }
0x51: {  	s22 =	simm.s32 @!p0 $0x2;
	[tilespmem:s23+$0x1C710] =	vst v0  }
0x52: {  	s29 =	sshll.u32 s20, $0x10;
	_ =	swait.ge @!p0 [sflag:s22], $0x1000  }
0x53: {  	s31 =	simm.s32 $0x0;
	s21 =	sor.u32 s7, s29;
	[sflag:s22] =	ssyncset.done @!p0 $0x0  }
0x54: {  	s30 =	sadd.s32 s6, s21;
	[sflag:s22] =	ssyncadd.s32 @!p0 $0xFFFFF000;
	s22 =	simm.s32 $0x0  }
0x55: {  	[hbm4b:s30+s31] =	stream.linear.scatter [tilespmem:s16], [sflag:$0x2], $0x1000, $0x38;
	[tilespmem:$0x1E6A0] =	vst v63  }
0x56: {  	v0 =	vld [tilespmem:s22+$0x1000];
	_ =	sdelay $0x5  }
0x57: {  	v1 =	vld [tilespmem:s22+$0x1010];
	_ =	sdelay $0x1  }
0x58: {  	v0 =	vld.idx.msk [tilespmem:v0+s13+$0x0], $0xffff;
	_ =	sdelay $0x4  }
0x59: {  	[tilespmem:s22+$0x1D6A0] =	vst v0;
	v0 =	vld [tilespmem:s22+$0x1020]  }
0x5a: {  	v1 =	vld.idx.msk [tilespmem:v1+s13+$0x0], $0xffff;
	_ =	sdelay $0x4  }
0x5b: {  	[tilespmem:s22+$0x1D6B0] =	vst v1;
	v1 =	vld [tilespmem:s22+$0x1030];
	_ =	sdelay $0x1  }
0x5c: {  	v0 =	vld.idx.msk [tilespmem:v0+s13+$0x0], $0xffff;
	_ =	sdelay $0x4  }
0x5d: {  	[tilespmem:s22+$0x1D6C0] =	vst v0;
	v0 =	vld [tilespmem:s22+$0x1040]  }
0x5e: {  	v1 =	vld.idx.msk [tilespmem:v1+s13+$0x0], $0xffff;
	_ =	sdelay $0x4  }
0x5f: {  	[tilespmem:s22+$0x1D6D0] =	vst v1;
	v1 =	vld [tilespmem:s22+$0x1050];
	_ =	sdelay $0x1  }
0x60: {  	v0 =	vld.idx.msk [tilespmem:v0+s13+$0x0], $0xffff;
	_ =	sdelay $0x4  }
0x61: {  	v2 =	vld [tilespmem:s22+$0x1060];
	[tilespmem:s22+$0x1D6E0] =	vst v0  }
0x62: {  	v0 =	vld.idx.msk [tilespmem:v1+s13+$0x0], $0xffff;
	_ =	sdelay $0x4  }
0x63: {  	[tilespmem:s22+$0x1D6F0] =	vst v0;
	v0 =	vld [tilespmem:s22+$0x1070];
	_ =	sdelay $0x1  }
0x64: {  	v1 =	vld.idx.msk [tilespmem:v2+s13+$0x0], $0xffff;
	_ =	sdelay $0x3  }
0x65: {  	s24 =	simm.s32 $0x80;
	s23 =	simm.s32 $0x400  }
.LBB2_5:
0x66: {  	p1 =	sne.s32 s23, $0x3E00;
	v2 =	vld [tilespmem:s24+$0x1000];
	[tilespmem:s22+$0x1D700] =	vst v1  }
0x67: {  	v0 =	vld.idx.msk [tilespmem:v0+s13+$0x0], $0xffff;
	_ =	sdelay $0x5  }
0x68: {  	v1 =	vld [tilespmem:s24+$0x1010];
	[tilespmem:s22+$0x1D710] =	vst v0;
	s22 =	smov.u32 s24  }
0x69: {  	v0 =	vld.idx.msk [tilespmem:v2+s13+$0x0], $0xffff;
	_ =	sdelay $0x5  }
0x6a: {  	[tilespmem:s22+$0x1D6A0] =	vst v0;
	v0 =	vld [tilespmem:s22+$0x1020]  }
0x6b: {  	v1 =	vld.idx.msk [tilespmem:v1+s13+$0x0], $0xffff;
	_ =	sdelay $0x5  }
0x6c: {  	[tilespmem:s22+$0x1D6B0] =	vst v1;
	v1 =	vld [tilespmem:s22+$0x1030]  }
0x6d: {  	v0 =	vld.idx.msk [tilespmem:v0+s13+$0x0], $0xffff;
	_ =	sdelay $0x5  }
0x6e: {  	[tilespmem:s22+$0x1D6C0] =	vst v0;
	v0 =	vld [tilespmem:s22+$0x1040]  }
0x6f: {  	v1 =	vld.idx.msk [tilespmem:v1+s13+$0x0], $0xffff;
	_ =	sdelay $0x5  }
0x70: {  	[tilespmem:s22+$0x1D6D0] =	vst v1;
	v1 =	vld [tilespmem:s22+$0x1050]  }
0x71: {  	v0 =	vld.idx.msk [tilespmem:v0+s13+$0x0], $0xffff;
	_ =	sdelay $0x5  }
0x72: {  	[tilespmem:s22+$0x1D6E0] =	vst v0;
	v2 =	vld [tilespmem:s22+$0x1060]  }
0x73: {  	v0 =	vld.idx.msk [tilespmem:v1+s13+$0x0], $0xffff;
	_ =	sdelay $0x5  }
0x74: {  	[tilespmem:s22+$0x1D6F0] =	vst v0;
	v0 =	vld [tilespmem:s22+$0x1070]  }
0x75: {  	v1 =	vld.idx.msk [tilespmem:v2+s13+$0x0], $0xffff  }
.Ltmp1:
0x76: {  	(pc) =	sbr.rel @p1 .LBB2_5-.Ltmp1, $2  }
0x77: {  	_ =	sdelay $0x2  }
0x78: {  	s24 =	sshra.s32 s23, $0x2;
	s23 =	sadd.s32 $0x200, s23  }
0x79: {  	_ =	sdelay $0x1  }
0x7a: {  	v2 =	vld [tilespmem:s24+$0x1000]  }
0x7b: {  	[tilespmem:s22+$0x1D700] =	vst v1  }
0x7c: {  	v0 =	vld.idx.msk [tilespmem:v0+s13+$0x0], $0xffff;
	_ =	sdelay $0x3  }
0x7d: {  	v1 =	vld [tilespmem:s24+$0x1010]  }
0x7e: {  	[tilespmem:s22+$0x1D710] =	vst v0  }
0x7f: {  	v0 =	vld.idx.msk [tilespmem:v2+s13+$0x0], $0xffff;
	_ =	sdelay $0x4  }
0x80: {  	[tilespmem:s24+$0x1D6A0] =	vst v0;
	v0 =	vld [tilespmem:s24+$0x1020]  }
0x81: {  	v1 =	vld.idx.msk [tilespmem:v1+s13+$0x0], $0xffff;
	_ =	sdelay $0x4  }
0x82: {  	[tilespmem:s24+$0x1D6B0] =	vst v1;
	v1 =	vld [tilespmem:s24+$0x1030];
	_ =	sdelay $0x1  }
0x83: {  	v0 =	vld.idx.msk [tilespmem:v0+s13+$0x0], $0xffff;
	_ =	sdelay $0x4  }
0x84: {  	[tilespmem:s24+$0x1D6C0] =	vst v0;
	v0 =	vld [tilespmem:s24+$0x1040]  }
0x85: {  	v1 =	vld.idx.msk [tilespmem:v1+s13+$0x0], $0xffff;
	_ =	sdelay $0x4  }
0x86: {  	[tilespmem:s24+$0x1D6D0] =	vst v1;
	v1 =	vld [tilespmem:s24+$0x1050];
	_ =	sdelay $0x1  }
0x87: {  	v0 =	vld.idx.msk [tilespmem:v0+s13+$0x0], $0xffff;
	_ =	sdelay $0x4  }
0x88: {  	[tilespmem:s24+$0x1D6E0] =	vst v0;
	v0 =	vld [tilespmem:s24+$0x1060]  }
0x89: {  	v1 =	vld.idx.msk [tilespmem:v1+s13+$0x0], $0xffff;
	_ =	sdelay $0x4  }
0x8a: {  	[tilespmem:s24+$0x1D6F0] =	vst v1;
	v1 =	vld [tilespmem:s24+$0x1070];
	_ =	sdelay $0x1  }
0x8b: {  	v0 =	vld.idx.msk [tilespmem:v0+s13+$0x0], $0xffff;
	_ =	sdelay $0x4  }
0x8c: {  	[tilespmem:s24+$0x1D700] =	vst v0  }
0x8d: {  	v0 =	vld.idx.msk [tilespmem:v1+s13+$0x0], $0xffff;
	_ =	sdelay $0x4  }
0x8e: {  	s22 =	simm.s32 @!p0 $0x2;
	[tilespmem:s24+$0x1D710] =	vst v0  }
0x8f: {  	_ =	swait.ge @!p0 [sflag:s22], $0x1000  }
0x90: {  	s31 =	sadd.s32 s21, s9;
	[sflag:s22] =	ssyncset.done @!p0 $0x0  }
0x91: {  	s23 =	simm.s32 $0x0;
	[sflag:s22] =	ssyncadd.s32 @!p0 $0xFFFFF000;
	s22 =	simm.s32 $0x0  }
0x92: {  	[hbm4b:s31+s23] =	stream.linear.scatter [tilespmem:s17], [sflag:$0x2], $0x1000, $0x38;
	[tilespmem:$0x1E6A0] =	vst v63  }
0x93: {  	v0 =	vld [tilespmem:s22+$0x2000];
	_ =	sdelay $0x5  }
0x94: {  	v1 =	vld [tilespmem:s22+$0x2010];
	_ =	sdelay $0x1  }
0x95: {  	v0 =	vld.idx.msk [tilespmem:v0+s13+$0x0], $0xffff;
	_ =	sdelay $0x4  }
0x96: {  	[tilespmem:s22+$0x1C6A0] =	vst v0;
	v0 =	vld [tilespmem:s22+$0x2020]  }
0x97: {  	v1 =	vld.idx.msk [tilespmem:v1+s13+$0x0], $0xffff;
	_ =	sdelay $0x4  }
0x98: {  	[tilespmem:s22+$0x1C6B0] =	vst v1;
	v1 =	vld [tilespmem:s22+$0x2030];
	_ =	sdelay $0x1  }
0x99: {  	v0 =	vld.idx.msk [tilespmem:v0+s13+$0x0], $0xffff;
	_ =	sdelay $0x4  }
0x9a: {  	[tilespmem:s22+$0x1C6C0] =	vst v0;
	v0 =	vld [tilespmem:s22+$0x2040]  }
0x9b: {  	v1 =	vld.idx.msk [tilespmem:v1+s13+$0x0], $0xffff;
	_ =	sdelay $0x4  }
0x9c: {  	[tilespmem:s22+$0x1C6D0] =	vst v1;
	v1 =	vld [tilespmem:s22+$0x2050];
	_ =	sdelay $0x1  }
0x9d: {  	v0 =	vld.idx.msk [tilespmem:v0+s13+$0x0], $0xffff;
	_ =	sdelay $0x4  }
0x9e: {  	v2 =	vld [tilespmem:s22+$0x2060];
	[tilespmem:s22+$0x1C6E0] =	vst v0  }
0x9f: {  	v0 =	vld.idx.msk [tilespmem:v1+s13+$0x0], $0xffff;
	_ =	sdelay $0x4  }
0xa0: {  	[tilespmem:s22+$0x1C6F0] =	vst v0;
	v0 =	vld [tilespmem:s22+$0x2070];
	_ =	sdelay $0x1  }
0xa1: {  	v1 =	vld.idx.msk [tilespmem:v2+s13+$0x0], $0xffff;
	_ =	sdelay $0x3  }
0xa2: {  	s24 =	simm.s32 $0x80;
	s23 =	simm.s32 $0x400  }
.LBB2_7:
0xa3: {  	p0 =	sne.s32 s23, $0x3E00;
	v2 =	vld [tilespmem:s24+$0x2000];
	[tilespmem:s22+$0x1C700] =	vst v1  }
0xa4: {  	v0 =	vld.idx.msk [tilespmem:v0+s13+$0x0], $0xffff;
	_ =	sdelay $0x5  }
0xa5: {  	v1 =	vld [tilespmem:s24+$0x2010];
	[tilespmem:s22+$0x1C710] =	vst v0;
	s22 =	smov.u32 s24  }
0xa6: {  	v0 =	vld.idx.msk [tilespmem:v2+s13+$0x0], $0xffff;
	_ =	sdelay $0x5  }
0xa7: {  	[tilespmem:s22+$0x1C6A0] =	vst v0;
	v0 =	vld [tilespmem:s22+$0x2020]  }
0xa8: {  	v1 =	vld.idx.msk [tilespmem:v1+s13+$0x0], $0xffff;
	_ =	sdelay $0x5  }
0xa9: {  	[tilespmem:s22+$0x1C6B0] =	vst v1;
	v1 =	vld [tilespmem:s22+$0x2030]  }
0xaa: {  	v0 =	vld.idx.msk [tilespmem:v0+s13+$0x0], $0xffff;
	_ =	sdelay $0x5  }
0xab: {  	[tilespmem:s22+$0x1C6C0] =	vst v0;
	v0 =	vld [tilespmem:s22+$0x2040]  }
0xac: {  	v1 =	vld.idx.msk [tilespmem:v1+s13+$0x0], $0xffff;
	_ =	sdelay $0x5  }
0xad: {  	[tilespmem:s22+$0x1C6D0] =	vst v1;
	v1 =	vld [tilespmem:s22+$0x2050]  }
0xae: {  	v0 =	vld.idx.msk [tilespmem:v0+s13+$0x0], $0xffff;
	_ =	sdelay $0x5  }
0xaf: {  	[tilespmem:s22+$0x1C6E0] =	vst v0;
	v2 =	vld [tilespmem:s22+$0x2060]  }
0xb0: {  	v0 =	vld.idx.msk [tilespmem:v1+s13+$0x0], $0xffff;
	_ =	sdelay $0x5  }
0xb1: {  	[tilespmem:s22+$0x1C6F0] =	vst v0;
	v0 =	vld [tilespmem:s22+$0x2070]  }
0xb2: {  	v1 =	vld.idx.msk [tilespmem:v2+s13+$0x0], $0xffff  }
.Ltmp2:
0xb3: {  	(pc) =	sbr.rel @p0 .LBB2_7-.Ltmp2, $2  }
0xb4: {  	_ =	sdelay $0x2  }
0xb5: {  	s24 =	sshra.s32 s23, $0x2;
	s23 =	sadd.s32 $0x200, s23  }
0xb6: {  	_ =	sdelay $0x1  }
0xb7: {  	v2 =	vld [tilespmem:s24+$0x2000]  }
0xb8: {  	[tilespmem:s22+$0x1C700] =	vst v1  }
0xb9: {  	v0 =	vld.idx.msk [tilespmem:v0+s13+$0x0], $0xffff;
	_ =	sdelay $0x3  }
0xba: {  	v1 =	vld [tilespmem:s24+$0x2010]  }
0xbb: {  	[tilespmem:s22+$0x1C710] =	vst v0  }
0xbc: {  	v0 =	vld.idx.msk [tilespmem:v2+s13+$0x0], $0xffff;
	_ =	sdelay $0x4  }
0xbd: {  	[tilespmem:s24+$0x1C6A0] =	vst v0;
	v0 =	vld [tilespmem:s24+$0x2020]  }
0xbe: {  	v1 =	vld.idx.msk [tilespmem:v1+s13+$0x0], $0xffff;
	_ =	sdelay $0x4  }
0xbf: {  	[tilespmem:s24+$0x1C6B0] =	vst v1;
	v1 =	vld [tilespmem:s24+$0x2030];
	_ =	sdelay $0x1  }
0xc0: {  	v0 =	vld.idx.msk [tilespmem:v0+s13+$0x0], $0xffff;
	_ =	sdelay $0x4  }
0xc1: {  	[tilespmem:s24+$0x1C6C0] =	vst v0;
	v0 =	vld [tilespmem:s24+$0x2040]  }
0xc2: {  	v1 =	vld.idx.msk [tilespmem:v1+s13+$0x0], $0xffff;
	_ =	sdelay $0x4  }
0xc3: {  	[tilespmem:s24+$0x1C6D0] =	vst v1;
	v1 =	vld [tilespmem:s24+$0x2050];
	_ =	sdelay $0x1  }
0xc4: {  	v0 =	vld.idx.msk [tilespmem:v0+s13+$0x0], $0xffff;
	_ =	sdelay $0x4  }
0xc5: {  	[tilespmem:s24+$0x1C6E0] =	vst v0;
	v0 =	vld [tilespmem:s24+$0x2060]  }
0xc6: {  	v1 =	vld.idx.msk [tilespmem:v1+s13+$0x0], $0xffff;
	_ =	sdelay $0x4  }
0xc7: {  	[tilespmem:s24+$0x1C6F0] =	vst v1;
	v1 =	vld [tilespmem:s24+$0x2070];
	_ =	sdelay $0x1  }
0xc8: {  	v0 =	vld.idx.msk [tilespmem:v0+s13+$0x0], $0xffff;
	_ =	sdelay $0x4  }
0xc9: {  	[tilespmem:s24+$0x1C700] =	vst v0  }
0xca: {  	v0 =	vld.idx.msk [tilespmem:v1+s13+$0x0], $0xffff;
	_ =	sdelay $0x4  }
0xcb: {  	[tilespmem:s24+$0x1C710] =	vst v0  }
0xcc: {  	_ =	swait.ge [sflag:s18], $0x1000  }
0xcd: {  	s31 =	sadd.s32 s21, s10;
	[sflag:s18] =	ssyncset.done $0x0  }
0xce: {  	s23 =	simm.s32 $0x0;
	s22 =	simm.s32 $0x0;
	[sflag:s18] =	ssyncadd.s32 $0xFFFFF000  }
0xcf: {  	[hbm4b:s31+s23] =	stream.linear.scatter [tilespmem:s16], [sflag:$0x2], $0x1000, $0x38;
	[tilespmem:$0x1E6A0] =	vst v63  }
0xd0: {  	v0 =	vld [tilespmem:s22+$0x3000];
	_ =	sdelay $0x5  }
0xd1: {  	v1 =	vld [tilespmem:s22+$0x3010];
	_ =	sdelay $0x1  }
0xd2: {  	v0 =	vld.idx.msk [tilespmem:v0+s13+$0x0], $0xffff;
	_ =	sdelay $0x4  }
0xd3: {  	[tilespmem:s22+$0x1D6A0] =	vst v0;
	v0 =	vld [tilespmem:s22+$0x3020]  }
0xd4: {  	v1 =	vld.idx.msk [tilespmem:v1+s13+$0x0], $0xffff;
	_ =	sdelay $0x4  }
0xd5: {  	[tilespmem:s22+$0x1D6B0] =	vst v1;
	v1 =	vld [tilespmem:s22+$0x3030];
	_ =	sdelay $0x1  }
0xd6: {  	v0 =	vld.idx.msk [tilespmem:v0+s13+$0x0], $0xffff;
	_ =	sdelay $0x4  }
0xd7: {  	[tilespmem:s22+$0x1D6C0] =	vst v0;
	v0 =	vld [tilespmem:s22+$0x3040]  }
0xd8: {  	v1 =	vld.idx.msk [tilespmem:v1+s13+$0x0], $0xffff;
	_ =	sdelay $0x4  }
0xd9: {  	[tilespmem:s22+$0x1D6D0] =	vst v1;
	v1 =	vld [tilespmem:s22+$0x3050];
	_ =	sdelay $0x1  }
0xda: {  	v0 =	vld.idx.msk [tilespmem:v0+s13+$0x0], $0xffff;
	_ =	sdelay $0x4  }
0xdb: {  	v2 =	vld [tilespmem:s22+$0x3060];
	[tilespmem:s22+$0x1D6E0] =	vst v0  }
0xdc: {  	v0 =	vld.idx.msk [tilespmem:v1+s13+$0x0], $0xffff;
	_ =	sdelay $0x4  }
0xdd: {  	[tilespmem:s22+$0x1D6F0] =	vst v0;
	v0 =	vld [tilespmem:s22+$0x3070];
	_ =	sdelay $0x1  }
0xde: {  	v1 =	vld.idx.msk [tilespmem:v2+s13+$0x0], $0xffff;
	_ =	sdelay $0x3  }
0xdf: {  	s24 =	simm.s32 $0x80;
	s23 =	simm.s32 $0x400  }
.LBB2_9:
0xe0: {  	p0 =	sne.s32 s23, $0x3E00;
	v2 =	vld [tilespmem:s24+$0x3000];
	[tilespmem:s22+$0x1D700] =	vst v1  }
0xe1: {  	v0 =	vld.idx.msk [tilespmem:v0+s13+$0x0], $0xffff;
	_ =	sdelay $0x5  }
0xe2: {  	v1 =	vld [tilespmem:s24+$0x3010];
	[tilespmem:s22+$0x1D710] =	vst v0;
	s22 =	smov.u32 s24  }
0xe3: {  	v0 =	vld.idx.msk [tilespmem:v2+s13+$0x0], $0xffff;
	_ =	sdelay $0x5  }
0xe4: {  	[tilespmem:s22+$0x1D6A0] =	vst v0;
	v0 =	vld [tilespmem:s22+$0x3020]  }
0xe5: {  	v1 =	vld.idx.msk [tilespmem:v1+s13+$0x0], $0xffff;
	_ =	sdelay $0x5  }
0xe6: {  	[tilespmem:s22+$0x1D6B0] =	vst v1;
	v1 =	vld [tilespmem:s22+$0x3030]  }
0xe7: {  	v0 =	vld.idx.msk [tilespmem:v0+s13+$0x0], $0xffff;
	_ =	sdelay $0x5  }
0xe8: {  	[tilespmem:s22+$0x1D6C0] =	vst v0;
	v0 =	vld [tilespmem:s22+$0x3040]  }
0xe9: {  	v1 =	vld.idx.msk [tilespmem:v1+s13+$0x0], $0xffff;
	_ =	sdelay $0x5  }
0xea: {  	[tilespmem:s22+$0x1D6D0] =	vst v1;
	v1 =	vld [tilespmem:s22+$0x3050]  }
0xeb: {  	v0 =	vld.idx.msk [tilespmem:v0+s13+$0x0], $0xffff;
	_ =	sdelay $0x5  }
0xec: {  	[tilespmem:s22+$0x1D6E0] =	vst v0;
	v2 =	vld [tilespmem:s22+$0x3060]  }
0xed: {  	v0 =	vld.idx.msk [tilespmem:v1+s13+$0x0], $0xffff;
	_ =	sdelay $0x5  }
0xee: {  	[tilespmem:s22+$0x1D6F0] =	vst v0;
	v0 =	vld [tilespmem:s22+$0x3070]  }
0xef: {  	v1 =	vld.idx.msk [tilespmem:v2+s13+$0x0], $0xffff  }
.Ltmp3:
0xf0: {  	(pc) =	sbr.rel @p0 .LBB2_9-.Ltmp3, $2  }
0xf1: {  	_ =	sdelay $0x2  }
0xf2: {  	s24 =	sshra.s32 s23, $0x2;
	s23 =	sadd.s32 $0x200, s23  }
0xf3: {  	_ =	sdelay $0x1  }
0xf4: {  	v2 =	vld [tilespmem:s24+$0x3000]  }
0xf5: {  	[tilespmem:s22+$0x1D700] =	vst v1  }
0xf6: {  	v0 =	vld.idx.msk [tilespmem:v0+s13+$0x0], $0xffff;
	_ =	sdelay $0x3  }
0xf7: {  	v1 =	vld [tilespmem:s24+$0x3010]  }
0xf8: {  	[tilespmem:s22+$0x1D710] =	vst v0  }
0xf9: {  	v0 =	vld.idx.msk [tilespmem:v2+s13+$0x0], $0xffff;
	_ =	sdelay $0x3  }
0xfa: {  	v58 =	vld [tilespmem:s24+$0x3020]  }
0xfb: {  	[tilespmem:s24+$0x1D6A0] =	vst v0  }
0xfc: {  	v1 =	vld.idx.msk [tilespmem:v1+s13+$0x0], $0xffff;
	_ =	sdelay $0x3  }
0xfd: {  	v59 =	vld [tilespmem:s24+$0x3030]  }
0xfe: {  	[tilespmem:s24+$0x1D6B0] =	vst v1  }
0xff: {  	v0 =	vld.idx.msk [tilespmem:v58+s13+$0x0], $0xffff;
	_ =	sdelay $0x3  }
0x100: {  	v60 =	vld [tilespmem:s24+$0x3040]  }
0x101: {  	[tilespmem:s24+$0x1D6C0] =	vst v0  }
0x102: {  	v1 =	vld.idx.msk [tilespmem:v59+s13+$0x0], $0xffff;
	_ =	sdelay $0x3  }
0x103: {  	v61 =	vld [tilespmem:s24+$0x3050]  }
0x104: {  	[tilespmem:s24+$0x1D6D0] =	vst v1  }
0x105: {  	v0 =	vld.idx.msk [tilespmem:v60+s13+$0x0], $0xffff;
	_ =	sdelay $0x3  }
0x106: {  	v62 =	vld [tilespmem:s24+$0x3060]  }
0x107: {  	[tilespmem:s24+$0x1D6E0] =	vst v0  }
0x108: {  	v1 =	vld.idx.msk [tilespmem:v61+s13+$0x0], $0xffff;
	_ =	sdelay $0x3  }
0x109: {  	v63 =	vld [tilespmem:s24+$0x3070]  }
0x10a: {  	[tilespmem:s24+$0x1D6F0] =	vst v1  }
0x10b: {  	v0 =	vld.idx.msk [tilespmem:v62+s13+$0x0], $0xffff;
	_ =	sdelay $0x4  }
0x10c: {  	[tilespmem:s24+$0x1D700] =	vst v0  }
0x10d: {  	v0 =	vld.idx.msk [tilespmem:v63+s13+$0x0], $0xffff;
	_ =	sdelay $0x4  }
0x10e: {  	[tilespmem:s24+$0x1D710] =	vst v0  }
0x10f: {  	p0 =	seq.s32 s20, $0x19;
	_ =	swait.ge [sflag:s18], $0x1000  }
0x110: {  	s20 =	sadd.s32 @!p0 $0x1, s20;
	[sflag:s18] =	ssyncset.done $0x0  }
0x111: {  	s21 =	sadd.s32 s21, s11;
	s22 =	smul.u32 @!p0 $0x30D400, s20;
	[sflag:s18] =	ssyncadd.s32 $0xFFFFF000  }
0x112: {  	[hbm4b:s21+s3] =	stream.linear.scatter [tilespmem:s17], [sflag:$0x2], $0x1000, $0x38;
	[tilespmem:$0x1E6A0] =	vst v63  }
0x113: {  	s21 =	sadd.s32 @!p0 s4, s22  }
0x114: {  	s23 =	simm.s32 @!p0 $0x4000;
	s21 =	sshrl.u32 @!p0 s21, $0x3  }
0x115: {  	p1 =	sne.s32 @!p0 s20, $0x1A;
	s22 =	simm.s32 @!p0 $0x0;
	s21 =	sadd.s32 @!p0 s5, s21  }
0x116: {  	[tilespmem:s23], [sflag:$0x1] =	stream.linear.gather @!p0 [hbm4b:s21+s22], $0x186A0, $0x38;
	[tilespmem:$0x1E6A0] =	vst v63  }
0x117: {  	p0 =	por p0, !p1  }
.Ltmp4:
0x118: {  	_ = 	snop;
	(pc) =	sbr.rel @!p0 .LBB2_2-.Ltmp4, $1  }
0x119: {  	_ =	sdelay $0x3  }
0x11a: {  	s19 =	sadd.s32 $0x1, s19  }
0x11b: {  	_ =	swait.ge [sflag:s18], $0x1000;
	p0 =	sne.s32 s19, s12  }
.Ltmp5:
0x11c: {  	[sflag:s18] =	ssyncset.done $0x0;
	(pc) =	sbr.rel @p0 .LBB2_1-.Ltmp5, $4  }
0x11d: {  	[sflag:s18] =	ssyncadd.s32 $0xFFFFF000  }
0x11e: {  	_ =	swait.ge [sflag:s18], $0x1000  }
0x11f: {  	[sflag:s18] =	ssyncset.done $0x0  }
0x120: {  	[sflag:s18] =	ssyncadd.s32 $0xFFFFF000  }
0x121: {  	_ =	sfence.sel $0x180000  }
0x122: {  	[bflag:$0x0] =	sbarrier.arrive $0xFFFF  }
0x123: {  	p0 =	sne.s32 s1, $0x0;
	_ =	strace $0x90000047  }
0x124: {  	s0 =	sadd.s32 @!p0 $0x100000, s0;
	[bflag:$0x2] =	sbarrier.arrive $0xFFFF  }
0x125: {  	[sflag:s0] =	ssyncadd.tile.s32 @!p0 $0x1;
	_ =	shalt  }
.Lfunc_end2:
_tile_overlayer_lowered:
.L_overlay_start_2:
0x126: {  	(tag) =	ssettag $0x2  }
0x127: {  	s0 =	rddreg [dreg:$0x0];
	s2 =	stileid.u32  }
0x128: {  	s1 =	rddreg [dreg:$0x1];
	p0 =	sne.s32 s2, $0x0  }
0x129: {  	s3 =	rddreg [dreg:$0x2];
	[bflag:$0x3] =	sbarrier.arrive $0xFFFF;
	s2 =	simm.s32 @!p0 $0x1C03  }
0x12a: {  	[timem:s3], [sflag:s2] =	dma.local @!p0 [hbm:s0], s1  }
0x12b: {  	s0 =	simm.s32 @!p0 $0x3  }
0x12c: {  	_ =	swait.ge @!p0 [sflag:s0], s1  }
0x12d: {  	s1 =	ssub.s32 @!p0 $0x0, s1;
	[sflag:s0] =	ssyncset.done @!p0 $0x0  }
0x12e: {  	[sflag:s0] =	ssyncadd.s32 @!p0 s1  }
0x12f: {  	[bflag:$0x3] =	sbarrier.arrive $0xFFFF  }
0x130: {  	_ =	shalt  }

</sc_bundles>
